<compile_context>
chip_gen: v7x
topology: tpu7x:2x2x1
jax: 0.10.2.dev20260603
libtpu: 0.0.44.dev20260713+nightly
codegen_flags: <defaults>
</compile_context>

<pallas_src>
import functools

import jax
import jax.numpy as jnp
from jax import lax
from jax.experimental import pallas as pl
from jax.experimental.pallas import tpu as pltpu
from jax.experimental.pallas import tpu_sc as plsc

B = 16384
F = 26
CAT_VOCAB = 100000
EMB = 32
NUM = 13
DEEP_CAT = F * EMB

NC = 2
NS = 16
NW = NC * NS

ROWS = B * F
RPW = ROWS // NW
SPW = B // NW
CHUNK = 1664
SPC = CHUNK // F
NCHUNK = RPW // CHUNK
WROWS = 1000000 // 16

_sc_mesh = plsc.VectorSubcoreMesh(core_axis_name="c", subcore_axis_name="s")
_sc_params = pltpu.CompilerParams(use_tc_tiling_on_sc=False,
                                  needs_layout_passes=False)


@functools.partial(
    pl.kernel,
    out_type=jax.ShapeDtypeStruct((B,), jnp.float32),
    mesh=_sc_mesh,
    compiler_params=_sc_params,
    scratch_types=[
        pltpu.VMEM((CHUNK,), jnp.int32),
        pltpu.VMEM((CHUNK,), jnp.int32),
        pltpu.VMEM((CHUNK,), jnp.int32),
        pltpu.VMEM((CHUNK, 16), jnp.float32),
        pltpu.VMEM((SPC,), jnp.float32),
        pltpu.SemaphoreType.DMA,
    ],
)
def _sc_wide(widx_hbm, wemb_hbm, wsum_hbm,
             widx_v, whi_v, wlo_v, w16_v, wsum_v, sem_w):
    wid = lax.axis_index("s") * NC + lax.axis_index("c")
    base = wid * RPW
    sbase = wid * SPW
    lane_ids = lax.iota(jnp.int32, 16)

    def body(i, carry):
        off = base + i * CHUNK
        pltpu.sync_copy(widx_hbm.at[pl.ds(off, CHUNK)], widx_v)

        def split_body(k, c):
            w = widx_v[pl.ds(k * 16, 16)]
            whi_v[pl.ds(k * 16, 16)] = lax.shift_right_logical(w, 4)
            wlo_v[pl.ds(k * 16, 16)] = lax.bitwise_and(w, 15)
            return c

        lax.fori_loop(0, CHUNK // 16, split_body, 0)
        pltpu.async_copy(wemb_hbm.at[whi_v], w16_v, sem_w).wait()

        for g in range(SPC // 16):
            def red_body(f, acc):
                row0 = f * SPC + g * 16
                rows = lane_ids + row0
                lanes = wlo_v[pl.ds(row0, 16)]
                return acc + plsc.load_gather(w16_v, [rows, lanes])

            acc = lax.fori_loop(0, F, red_body,
                                jnp.zeros((16,), jnp.float32))
            wsum_v[pl.ds(g * 16, 16)] = acc
        pltpu.sync_copy(wsum_v, wsum_hbm.at[pl.ds(sbase + i * SPC, SPC)])
        return carry

    lax.fori_loop(0, NCHUNK, body, 0)


def _make_deep(nrows):
    rpw = nrows // NW
    nchunk = rpw // CHUNK

    @functools.partial(
        pl.kernel,
        out_type=jax.ShapeDtypeStruct((nrows, EMB), jnp.float32),
        mesh=_sc_mesh,
        compiler_params=_sc_params,
        scratch_types=[
            pltpu.VMEM((CHUNK,), jnp.int32),
            pltpu.VMEM((CHUNK,), jnp.int32),
            pltpu.VMEM((CHUNK, EMB), jnp.float32),
            pltpu.VMEM((CHUNK, EMB), jnp.float32),
            pltpu.SemaphoreType.DMA,
            pltpu.SemaphoreType.DMA,
        ],
    )
    def _sc_deep(didx_hbm, tab_hbm, out_hbm,
                 didx0_v, didx1_v, rows0_v, rows1_v, sem0, sem1):
        wid = lax.axis_index("s") * NC + lax.axis_index("c")
        base = wid * rpw
        idx_bufs = (didx0_v, didx1_v)
        row_bufs = (rows0_v, rows1_v)
        sems = (sem0, sem1)

        pltpu.sync_copy(didx_hbm.at[pl.ds(base, CHUNK)], didx0_v)
        cp = [pltpu.async_copy(tab_hbm.at[didx0_v], rows0_v, sem0), None]
        for i in range(nchunk):
            b = i % 2
            nb = (i + 1) % 2
            if i + 1 < nchunk:
                noff = base + (i + 1) * CHUNK
                pltpu.sync_copy(didx_hbm.at[pl.ds(noff, CHUNK)], idx_bufs[nb])
                cp[b].wait()
                cp[nb] = pltpu.async_copy(tab_hbm.at[idx_bufs[nb]],
                                          row_bufs[nb], sems[nb])
            else:
                cp[b].wait()
            pltpu.sync_copy(row_bufs[b],
                            out_hbm.at[pl.ds(base + i * CHUNK, CHUNK)])

    return _sc_deep


_sc_deep = _make_deep(ROWS)


BT = 512


def _mlp_body(g_ref, nx_ref, wl_ref, w1a_ref, w1b_ref, b1_ref, w2_ref,
              b2_ref, w3_ref, b3_ref, w4_ref, b4_ref, out_ref):
    h = jnp.dot(g_ref[...], w1a_ref[...], preferred_element_type=jnp.float32)
    h += jnp.dot(nx_ref[...], w1b_ref[...], preferred_element_type=jnp.float32)
    h = jnp.maximum(h + b1_ref[...], 0.0)
    h = jnp.maximum(
        jnp.dot(h, w2_ref[...], preferred_element_type=jnp.float32) + b2_ref[...], 0.0)
    h = jnp.maximum(
        jnp.dot(h, w3_ref[...], preferred_element_type=jnp.float32) + b3_ref[...], 0.0)
    o = jnp.dot(h, w4_ref[...], preferred_element_type=jnp.float32) + b4_ref[...]
    out_ref[...] = o + wl_ref[...]


def _make_mlp(nb):
    return pl.pallas_call(
        _mlp_body,
        grid=(nb // BT,),
        in_specs=[
        pl.BlockSpec((BT, DEEP_CAT), lambda i: (i, 0)),
        pl.BlockSpec((BT, NUM), lambda i: (i, 0)),
        pl.BlockSpec((BT, 1), lambda i: (i, 0)),
        pl.BlockSpec((DEEP_CAT, 256), lambda i: (0, 0)),
        pl.BlockSpec((NUM, 256), lambda i: (0, 0)),
        pl.BlockSpec((1, 256), lambda i: (0, 0)),
        pl.BlockSpec((256, 128), lambda i: (0, 0)),
        pl.BlockSpec((1, 128), lambda i: (0, 0)),
        pl.BlockSpec((128, 64), lambda i: (0, 0)),
        pl.BlockSpec((1, 64), lambda i: (0, 0)),
            pl.BlockSpec((64, 1), lambda i: (0, 0)),
            pl.BlockSpec((1, 1), lambda i: (0, 0)),
        ],
        out_specs=pl.BlockSpec((BT, 1), lambda i: (i, 0)),
        out_shape=jax.ShapeDtypeStruct((nb, 1), jnp.float32),
    )


_mlp_call = _make_mlp(B)


def kernel(wide_idx, deep_cat_idx, num_x, wide_emb, cat_tables,
           W1, b1, W2, b2, W3, b3, W4, b4):
    tab = cat_tables.reshape(F * CAT_VOCAB, EMB)
    didx = (deep_cat_idx.astype(jnp.int32)
            + (jnp.arange(F, dtype=jnp.int32) * CAT_VOCAB)[None, :]).reshape(ROWS)
    widx = (wide_idx.astype(jnp.int32)
            .reshape(NW, NCHUNK, SPC, F)
            .transpose(0, 1, 3, 2)
            .reshape(ROWS))
    wemb16 = wide_emb.reshape(WROWS, 16)

    wsum = _sc_wide(widx, wemb16)
    gathered = _sc_deep(didx, tab)

    return _mlp_call(
        gathered.reshape(B, DEEP_CAT), num_x, wsum.reshape(B, 1),
        W1[:DEEP_CAT], W1[DEEP_CAT:], b1.reshape(1, 256),
        W2, b2.reshape(1, 128),
        W3, b3.reshape(1, 64),
        W4, b4.reshape(1, 1),
    )

# --- scband reference (transcript-rebuilt; emitter-appended) ---
"""Pipeline reference for scband-wide-and-deep-46445776339658 (READ-ONLY COPY).

The authoritative reference and input builder live on the scoring server;
editing this copy changes nothing except your own understanding.
"""

import jax, jax.numpy as jnp
import numpy as np

B = 16384
F = 26
CAT_VOCAB = 100000
WIDE_VOCAB = 1000000
EMB = 32
NUM = 13
DEEP_IN = EMB * F + NUM


def _linear_init(key, fan_in, fan_out):
    bound = 1.0 / np.sqrt(fan_in)
    kw, kb = jax.random.split(key)
    W = jax.random.uniform(kw, (fan_in, fan_out), dtype=jnp.float32, minval=-bound, maxval=bound)
    b = jax.random.uniform(kb, (fan_out,), dtype=jnp.float32, minval=-bound, maxval=bound)
    return W, b


def setup_inputs(seed: int = 0) -> dict:
    key = jax.random.key(seed)
    ks = jax.random.split(key, 10)
    wide_idx = jax.random.randint(ks[0], (B, F), 0, WIDE_VOCAB)
    deep_cat_idx = jax.random.randint(ks[1], (B, F), 0, CAT_VOCAB)
    num_x = jax.random.normal(ks[2], (B, NUM), dtype=jnp.float32)
    wide_emb = jax.random.normal(ks[3], (WIDE_VOCAB, 1), dtype=jnp.float32) * 0.01
    cat_tables = jax.random.normal(ks[4], (F, CAT_VOCAB, EMB), dtype=jnp.float32) * 0.01
    W1, b1 = _linear_init(ks[5], DEEP_IN, 256)
    W2, b2 = _linear_init(ks[6], 256, 128)
    W3, b3 = _linear_init(ks[7], 128, 64)
    W4, b4 = _linear_init(ks[8], 64, 1)
    return {
        "wide_idx": wide_idx,
        "deep_cat_idx": deep_cat_idx,
        "num_x": num_x,
        "wide_emb": wide_emb,
        "cat_tables": cat_tables,
        "W1": W1, "b1": b1,
        "W2": W2, "b2": b2,
        "W3": W3, "b3": b3,
        "W4": W4, "b4": b4,
    }


def reference(wide_idx, deep_cat_idx, num_x, wide_emb, cat_tables,
              W1, b1, W2, b2, W3, b3, W4, b4):
    # Wide part: embedding lookup -> sum over feature axis -> [B, 1]
    wide_w = jnp.take(wide_emb, wide_idx, axis=0)  # [B, F, 1]
    wide_logit = wide_w.sum(axis=1)  # [B, 1]

    # Deep part: per-column embedding lookups, concatenated in column order
    # cat_tables[j][deep_cat_idx[:, j]] for all j, vectorized via fancy indexing
    col_idx = jnp.arange(F)[None, :]  # [1, F] broadcasts with [B, F]
    gathered = cat_tables[col_idx, deep_cat_idx]  # [B, F, EMB]
    deep_cat = gathered.reshape(gathered.shape[0], F * EMB)  # same as concat per-column
    deep_in = jnp.concatenate([deep_cat, num_x], axis=1)  # [B, DEEP_IN]

    h = jax.nn.relu(deep_in @ W1 + b1)
    h = jax.nn.relu(h @ W2 + b2)
    h = jax.nn.relu(h @ W3 + b3)
    deep_logit = h @ W4 + b4  # [B, 1]

    return wide_logit + deep_logit

if __name__ == "__main__":
    import jax
    _d = setup_inputs()
    print(jax.jit(kernel)(*tuple(_d.values())))

</pallas_src>

<mosaic_0001>
#map = affine_map<(d0, d1) -> (0)>
#map1 = affine_map<(d0, d1) -> (0, 0)>
module attributes {stable_mosaic.version = 14 : i64} {
  func.func @_sc_wide(%arg0: i32, %arg1: i32, %arg2: memref<425984xi32, #tpu.memory_space<hbm>>, %arg3: memref<62500x16xf32, #tpu.memory_space<hbm>>, %arg4: memref<16384xf32, #tpu.memory_space<hbm>>, %arg5: memref<1664xi32, #tpu.memory_space<vmem>>, %arg6: memref<1664xi32, #tpu.memory_space<vmem>>, %arg7: memref<1664xi32, #tpu.memory_space<vmem>>, %arg8: memref<1664x16xf32, #tpu.memory_space<vmem>>, %arg9: memref<64xf32, #tpu.memory_space<vmem>>, %arg10: memref<!tpu.dma_semaphore, #tpu.memory_space<semaphore_mem>>) attributes {dimension_semantics = [#tpu.dimension_semantics<core_parallel>, #tpu.dimension_semantics<subcore_parallel>], iteration_bounds = array<i64: 2, 16>, scalar_prefetch = 0 : i64, scratch_operands = 6 : i64, tpu.core_type = #tpu.core_type<sc_vector_subcore>, window_params = [{transform_indices = #map}, {transform_indices = #map1}, {transform_indices = #map}]} {
    %mul3A = arith.constant 2 : i32
    %mul3A_0 = arith.muli %arg1, %mul3A : i32
    %add3A = arith.addi %mul3A_0, %arg0 : i32
    %mul3A_1 = arith.constant 13312 : i32
    %mul3A_2 = arith.muli %add3A, %mul3A_1 : i32
    %mul3A_3 = arith.constant 512 : i32
    %mul3A_4 = arith.muli %add3A, %mul3A_3 : i32
    %iota3A = tpu.iota {dimensions = array<i32: 0>} : vector<16xi32>
    %scan3A = arith.constant 0 : i32
    %scan3A_5 = arith.constant 0 : i32
    %scan3A_6 = arith.constant 8 : i32
    %scan3A_7 = arith.addi %scan3A_5, %scan3A_6 : i32
    %scan3A_8 = arith.constant 1 : i32
    scf.for %scan3A_10 = %scan3A_5 to %scan3A_7 step %scan3A_8  : i32 {
      %mul3A_11 = arith.constant 1664 : i32
      %mul3A_12 = arith.muli %scan3A_10, %mul3A_11 : i32
      %add3A_13 = arith.addi %mul3A_2, %mul3A_12 : i32
      "tpu.region"() ({
        %run_scoped3A = tpu.sem_alloc : memref<!tpu.dma_semaphore, #tpu.memory_space<semaphore_mem>>
        %dma_start3A_65 = tpu.memref_slice %arg2[%add3A_13] : memref<425984xi32, #tpu.memory_space<hbm>> -> memref<1664xi32, #tpu.memory_space<hbm>>
        %dma_start3A_66 = tpu.memref_slice %arg2[%add3A_13] : memref<425984xi32, #tpu.memory_space<hbm>> -> memref<1664xi32, #tpu.memory_space<hbm>>
        tpu.enqueue_dma source(%dma_start3A_66 : memref<1664xi32, #tpu.memory_space<hbm>>) target(%arg5 : memref<1664xi32, #tpu.memory_space<vmem>>) target_semaphore(%run_scoped3A : memref<!tpu.dma_semaphore, #tpu.memory_space<semaphore_mem>>)
        %dma_wait3A_67 = tpu.memref_slice %arg2[%add3A_13] : memref<425984xi32, #tpu.memory_space<hbm>> -> memref<1664xi32, #tpu.memory_space<hbm>>
        %dma_wait3A_68 = tpu.memref_slice %arg2[%add3A_13] : memref<425984xi32, #tpu.memory_space<hbm>> -> memref<1664xi32, #tpu.memory_space<hbm>>
        tpu.wait_dma2 semaphore(%run_scoped3A : memref<!tpu.dma_semaphore, #tpu.memory_space<semaphore_mem>>) src(%dma_wait3A_68 : memref<1664xi32, #tpu.memory_space<hbm>>) dst(%arg5 : memref<1664xi32, #tpu.memory_space<vmem>>)
        tpu.yield
      }) : () -> ()
      %scan3A_14 = arith.constant 0 : i32
      %scan3A_15 = arith.constant 0 : i32
      %scan3A_16 = arith.constant 104 : i32
      %scan3A_17 = arith.addi %scan3A_15, %scan3A_16 : i32
      %scan3A_18 = arith.constant 1 : i32
      scf.for %scan3A_65 = %scan3A_15 to %scan3A_17 step %scan3A_18  : i32 {
        %mul3A_66 = arith.constant 16 : i32
        %mul3A_67 = arith.muli %scan3A_65, %mul3A_66 : i32
        %get3A = arith.index_cast %mul3A_67 : i32 to index
        %get3A_68 = tpu.vector_load %arg5[%get3A] {strides = array<i32>} : memref<1664xi32, #tpu.memory_space<vmem>>, vector<16xi32>,
        %shift_right_logical3A = arith.constant 4 : i32
        %shift_right_logical3A_69 = vector.broadcast %shift_right_logical3A : i32 to vector<16xi32>
        %shift_right_logical3A_70 = arith.shrui %get3A_68, %shift_right_logical3A_69 : vector<16xi32>
        %mul3A_71 = arith.constant 16 : i32
        %mul3A_72 = arith.muli %scan3A_65, %mul3A_71 : i32
        %swap3A_73 = arith.index_cast %mul3A_72 : i32 to index
        %swap3A_74 = tpu.vector_load %arg6[%swap3A_73] {strides = array<i32>} : memref<1664xi32, #tpu.memory_space<vmem>>, vector<16xi32>,
        tpu.vector_store %arg6[%swap3A_73], %shift_right_logical3A_70 {strides = array<i32>} : memref<1664xi32, #tpu.memory_space<vmem>>, vector<16xi32>,
        %and3A = arith.constant 15 : i32
        %and3A_75 = vector.broadcast %and3A : i32 to vector<16xi32>
        %and3A_76 = arith.andi %get3A_68, %and3A_75 : vector<16xi32>
        %mul3A_77 = arith.constant 16 : i32
        %mul3A_78 = arith.muli %scan3A_65, %mul3A_77 : i32
        %swap3A_79 = arith.index_cast %mul3A_78 : i32 to index
        %swap3A_80 = tpu.vector_load %arg7[%swap3A_79] {strides = array<i32>} : memref<1664xi32, #tpu.memory_space<vmem>>, vector<16xi32>,
        tpu.vector_store %arg7[%swap3A_79], %and3A_76 {strides = array<i32>} : memref<1664xi32, #tpu.memory_space<vmem>>, vector<16xi32>,
      }
      %scan3A_19 = arith.constant 104 : i32
      %dma_start3A = arith.constant 0 : i32
      %dma_start3A_20 = arith.constant 0 : i32
      %dma_start3A_21 = tpu.memref_slice %arg3[%dma_start3A, %dma_start3A_20] : memref<62500x16xf32, #tpu.memory_space<hbm>> -> memref<62500x16xf32, #tpu.memory_space<hbm>>
      tpu.enqueue_indirect_dma source(%dma_start3A_21 : memref<62500x16xf32, #tpu.memory_space<hbm>>) target(%arg8 : memref<1664x16xf32, #tpu.memory_space<vmem>>) offsets(%arg6 : memref<1664xi32, #tpu.memory_space<vmem>>) semaphore(%arg10 : memref<!tpu.dma_semaphore, #tpu.memory_space<semaphore_mem>>)
      %dma_wait3A = arith.constant 0 : i32
      %dma_wait3A_22 = arith.constant 0 : i32
      %dma_wait3A_23 = tpu.memref_slice %arg3[%dma_wait3A, %dma_wait3A_22] : memref<62500x16xf32, #tpu.memory_space<hbm>> -> memref<62500x16xf32, #tpu.memory_space<hbm>>
      tpu.wait_indirect_dma semaphore(%arg10 : memref<!tpu.dma_semaphore, #tpu.memory_space<semaphore_mem>>) src(%dma_wait3A_23 : memref<62500x16xf32, #tpu.memory_space<hbm>>) dst(%arg8 : memref<1664x16xf32, #tpu.memory_space<vmem>>)
      %broadcast_in_dim3A = arith.constant 0.000000e+00 : f32
      %broadcast_in_dim3A_24 = vector.broadcast %broadcast_in_dim3A : f32 to vector<16xf32>
      %scan3A_25 = arith.constant 0 : i32
      %scan3A_26 = arith.constant 26 : i32
      %scan3A_27 = arith.addi %scan3A_25, %scan3A_26 : i32
      %scan3A_28 = arith.constant 1 : i32
      %scan3A_29 = scf.for %scan3A_65 = %scan3A_25 to %scan3A_27 step %scan3A_28 iter_args(%scan3A_66 = %broadcast_in_dim3A_24) -> (vector<16xf32>)  : i32 {
        %mul3A_67 = arith.constant 64 : i32
        %mul3A_68 = arith.muli %scan3A_65, %mul3A_67 : i32
        %add3A_69 = arith.constant 0 : i32
        %add3A_70 = arith.addi %mul3A_68, %add3A_69 : i32
        %add3A_71 = vector.broadcast %add3A_70 : i32 to vector<16xi32>
        %add3A_72 = arith.addi %iota3A, %add3A_71 : vector<16xi32>
        %get3A = arith.index_cast %add3A_70 : i32 to index
        %get3A_73 = tpu.vector_load %arg7[%get3A] {strides = array<i32>} : memref<1664xi32, #tpu.memory_space<vmem>>, vector<16xi32>,
        %gather3A = tpu.vector_load_idx %arg8[%add3A_72, %get3A_73] : memref<1664x16xf32, #tpu.memory_space<vmem>>[vector<16xi32>, vector<16xi32>], vector<16xf32>,
        %add3A_74 = arith.addf %scan3A_66, %gather3A : vector<16xf32>
        scf.yield %add3A_74 : vector<16xf32>
      }
      %scan3A_30 = arith.constant 26 : i32
      %swap3A = arith.constant 0 : index
      %swap3A_31 = tpu.vector_load %arg9[%swap3A] {strides = array<i32>} : memref<64xf32, #tpu.memory_space<vmem>>, vector<16xf32>,
      tpu.vector_store %arg9[%swap3A], %scan3A_29 {strides = array<i32>} : memref<64xf32, #tpu.memory_space<vmem>>, vector<16xf32>,
      %broadcast_in_dim3A_32 = arith.constant 0.000000e+00 : f32
      %broadcast_in_dim3A_33 = vector.broadcast %broadcast_in_dim3A_32 : f32 to vector<16xf32>
      %scan3A_34 = arith.constant 0 : i32
      %scan3A_35 = arith.constant 26 : i32
      %scan3A_36 = arith.addi %scan3A_34, %scan3A_35 : i32
      %scan3A_37 = arith.constant 1 : i32
      %scan3A_38 = scf.for %scan3A_65 = %scan3A_34 to %scan3A_36 step %scan3A_37 iter_args(%scan3A_66 = %broadcast_in_dim3A_33) -> (vector<16xf32>)  : i32 {
        %mul3A_67 = arith.constant 64 : i32
        %mul3A_68 = arith.muli %scan3A_65, %mul3A_67 : i32
        %add3A_69 = arith.constant 16 : i32
        %add3A_70 = arith.addi %mul3A_68, %add3A_69 : i32
        %add3A_71 = vector.broadcast %add3A_70 : i32 to vector<16xi32>
        %add3A_72 = arith.addi %iota3A, %add3A_71 : vector<16xi32>
        %get3A = arith.index_cast %add3A_70 : i32 to index
        %get3A_73 = tpu.vector_load %arg7[%get3A] {strides = array<i32>} : memref<1664xi32, #tpu.memory_space<vmem>>, vector<16xi32>,
        %gather3A = tpu.vector_load_idx %arg8[%add3A_72, %get3A_73] : memref<1664x16xf32, #tpu.memory_space<vmem>>[vector<16xi32>, vector<16xi32>], vector<16xf32>,
        %add3A_74 = arith.addf %scan3A_66, %gather3A : vector<16xf32>
        scf.yield %add3A_74 : vector<16xf32>
      }
      %scan3A_39 = arith.constant 26 : i32
      %swap3A_40 = arith.constant 16 : index
      %swap3A_41 = tpu.vector_load %arg9[%swap3A_40] {strides = array<i32>} : memref<64xf32, #tpu.memory_space<vmem>>, vector<16xf32>,
      tpu.vector_store %arg9[%swap3A_40], %scan3A_38 {strides = array<i32>} : memref<64xf32, #tpu.memory_space<vmem>>, vector<16xf32>,
      %broadcast_in_dim3A_42 = arith.constant 0.000000e+00 : f32
      %broadcast_in_dim3A_43 = vector.broadcast %broadcast_in_dim3A_42 : f32 to vector<16xf32>
      %scan3A_44 = arith.constant 0 : i32
      %scan3A_45 = arith.constant 26 : i32
      %scan3A_46 = arith.addi %scan3A_44, %scan3A_45 : i32
      %scan3A_47 = arith.constant 1 : i32
      %scan3A_48 = scf.for %scan3A_65 = %scan3A_44 to %scan3A_46 step %scan3A_47 iter_args(%scan3A_66 = %broadcast_in_dim3A_43) -> (vector<16xf32>)  : i32 {
        %mul3A_67 = arith.constant 64 : i32
        %mul3A_68 = arith.muli %scan3A_65, %mul3A_67 : i32
        %add3A_69 = arith.constant 32 : i32
        %add3A_70 = arith.addi %mul3A_68, %add3A_69 : i32
        %add3A_71 = vector.broadcast %add3A_70 : i32 to vector<16xi32>
        %add3A_72 = arith.addi %iota3A, %add3A_71 : vector<16xi32>
        %get3A = arith.index_cast %add3A_70 : i32 to index
        %get3A_73 = tpu.vector_load %arg7[%get3A] {strides = array<i32>} : memref<1664xi32, #tpu.memory_space<vmem>>, vector<16xi32>,
        %gather3A = tpu.vector_load_idx %arg8[%add3A_72, %get3A_73] : memref<1664x16xf32, #tpu.memory_space<vmem>>[vector<16xi32>, vector<16xi32>], vector<16xf32>,
        %add3A_74 = arith.addf %scan3A_66, %gather3A : vector<16xf32>
        scf.yield %add3A_74 : vector<16xf32>
      }
      %scan3A_49 = arith.constant 26 : i32
      %swap3A_50 = arith.constant 32 : index
      %swap3A_51 = tpu.vector_load %arg9[%swap3A_50] {strides = array<i32>} : memref<64xf32, #tpu.memory_space<vmem>>, vector<16xf32>,
      tpu.vector_store %arg9[%swap3A_50], %scan3A_48 {strides = array<i32>} : memref<64xf32, #tpu.memory_space<vmem>>, vector<16xf32>,
      %broadcast_in_dim3A_52 = arith.constant 0.000000e+00 : f32
      %broadcast_in_dim3A_53 = vector.broadcast %broadcast_in_dim3A_52 : f32 to vector<16xf32>
      %scan3A_54 = arith.constant 0 : i32
      %scan3A_55 = arith.constant 26 : i32
      %scan3A_56 = arith.addi %scan3A_54, %scan3A_55 : i32
      %scan3A_57 = arith.constant 1 : i32
      %scan3A_58 = scf.for %scan3A_65 = %scan3A_54 to %scan3A_56 step %scan3A_57 iter_args(%scan3A_66 = %broadcast_in_dim3A_53) -> (vector<16xf32>)  : i32 {
        %mul3A_67 = arith.constant 64 : i32
        %mul3A_68 = arith.muli %scan3A_65, %mul3A_67 : i32
        %add3A_69 = arith.constant 48 : i32
        %add3A_70 = arith.addi %mul3A_68, %add3A_69 : i32
        %add3A_71 = vector.broadcast %add3A_70 : i32 to vector<16xi32>
        %add3A_72 = arith.addi %iota3A, %add3A_71 : vector<16xi32>
        %get3A = arith.index_cast %add3A_70 : i32 to index
        %get3A_73 = tpu.vector_load %arg7[%get3A] {strides = array<i32>} : memref<1664xi32, #tpu.memory_space<vmem>>, vector<16xi32>,
        %gather3A = tpu.vector_load_idx %arg8[%add3A_72, %get3A_73] : memref<1664x16xf32, #tpu.memory_space<vmem>>[vector<16xi32>, vector<16xi32>], vector<16xf32>,
        %add3A_74 = arith.addf %scan3A_66, %gather3A : vector<16xf32>
        scf.yield %add3A_74 : vector<16xf32>
      }
      %scan3A_59 = arith.constant 26 : i32
      %swap3A_60 = arith.constant 48 : index
      %swap3A_61 = tpu.vector_load %arg9[%swap3A_60] {strides = array<i32>} : memref<64xf32, #tpu.memory_space<vmem>>, vector<16xf32>,
      tpu.vector_store %arg9[%swap3A_60], %scan3A_58 {strides = array<i32>} : memref<64xf32, #tpu.memory_space<vmem>>, vector<16xf32>,
      %mul3A_62 = arith.constant 64 : i32
      %mul3A_63 = arith.muli %scan3A_10, %mul3A_62 : i32
      %add3A_64 = arith.addi %mul3A_4, %mul3A_63 : i32
      "tpu.region"() ({
        %run_scoped3A = tpu.sem_alloc : memref<!tpu.dma_semaphore, #tpu.memory_space<semaphore_mem>>
        %dma_start3A_65 = tpu.memref_slice %arg4[%add3A_64] : memref<16384xf32, #tpu.memory_space<hbm>> -> memref<64xf32, #tpu.memory_space<hbm>>
        %dma_start3A_66 = tpu.memref_slice %arg4[%add3A_64] : memref<16384xf32, #tpu.memory_space<hbm>> -> memref<64xf32, #tpu.memory_space<hbm>>
        tpu.enqueue_dma source(%arg9 : memref<64xf32, #tpu.memory_space<vmem>>) target(%dma_start3A_66 : memref<64xf32, #tpu.memory_space<hbm>>) target_semaphore(%run_scoped3A : memref<!tpu.dma_semaphore, #tpu.memory_space<semaphore_mem>>)
        %dma_wait3A_67 = tpu.memref_slice %arg4[%add3A_64] : memref<16384xf32, #tpu.memory_space<hbm>> -> memref<64xf32, #tpu.memory_space<hbm>>
        %dma_wait3A_68 = tpu.memref_slice %arg4[%add3A_64] : memref<16384xf32, #tpu.memory_space<hbm>> -> memref<64xf32, #tpu.memory_space<hbm>>
        tpu.wait_dma2 semaphore(%run_scoped3A : memref<!tpu.dma_semaphore, #tpu.memory_space<semaphore_mem>>) src(%arg9 : memref<64xf32, #tpu.memory_space<vmem>>) dst(%dma_wait3A_68 : memref<64xf32, #tpu.memory_space<hbm>>)
        tpu.yield
      }) : () -> ()
    }
    %scan3A_9 = arith.constant 8 : i32
    return
  }
}

#map = affine_map<(d0, d1) -> (0)>
#map1 = affine_map<(d0, d1) -> (0, 0)>
module attributes {stable_mosaic.version = 14 : i64} {
  func.func @_sc_deep(%arg0: i32, %arg1: i32, %arg2: memref<425984xi32, #tpu.memory_space<hbm>>, %arg3: memref<2600000x32xf32, #tpu.memory_space<hbm>>, %arg4: memref<425984x32xf32, #tpu.memory_space<hbm>>, %arg5: memref<1664xi32, #tpu.memory_space<vmem>>, %arg6: memref<1664xi32, #tpu.memory_space<vmem>>, %arg7: memref<1664x32xf32, #tpu.memory_space<vmem>>, %arg8: memref<1664x32xf32, #tpu.memory_space<vmem>>, %arg9: memref<!tpu.dma_semaphore, #tpu.memory_space<semaphore_mem>>, %arg10: memref<!tpu.dma_semaphore, #tpu.memory_space<semaphore_mem>>) attributes {dimension_semantics = [#tpu.dimension_semantics<core_parallel>, #tpu.dimension_semantics<subcore_parallel>], iteration_bounds = array<i64: 2, 16>, scalar_prefetch = 0 : i64, scratch_operands = 6 : i64, tpu.core_type = #tpu.core_type<sc_vector_subcore>, window_params = [{transform_indices = #map}, {transform_indices = #map1}, {transform_indices = #map1}]} {
    %mul3A = arith.constant 2 : i32
    %mul3A_0 = arith.muli %arg1, %mul3A : i32
    %add3A = arith.addi %mul3A_0, %arg0 : i32
    %mul3A_1 = arith.constant 13312 : i32
    %mul3A_2 = arith.muli %add3A, %mul3A_1 : i32
    "tpu.region"() ({
      %run_scoped3A = tpu.sem_alloc : memref<!tpu.dma_semaphore, #tpu.memory_space<semaphore_mem>>
      %dma_start3A_79 = tpu.memref_slice %arg2[%mul3A_2] : memref<425984xi32, #tpu.memory_space<hbm>> -> memref<1664xi32, #tpu.memory_space<hbm>>
      %dma_start3A_80 = tpu.memref_slice %arg2[%mul3A_2] : memref<425984xi32, #tpu.memory_space<hbm>> -> memref<1664xi32, #tpu.memory_space<hbm>>
      tpu.enqueue_dma source(%dma_start3A_80 : memref<1664xi32, #tpu.memory_space<hbm>>) target(%arg5 : memref<1664xi32, #tpu.memory_space<vmem>>) target_semaphore(%run_scoped3A : memref<!tpu.dma_semaphore, #tpu.memory_space<semaphore_mem>>)
      %dma_wait3A_81 = tpu.memref_slice %arg2[%mul3A_2] : memref<425984xi32, #tpu.memory_space<hbm>> -> memref<1664xi32, #tpu.memory_space<hbm>>
      %dma_wait3A_82 = tpu.memref_slice %arg2[%mul3A_2] : memref<425984xi32, #tpu.memory_space<hbm>> -> memref<1664xi32, #tpu.memory_space<hbm>>
      tpu.wait_dma2 semaphore(%run_scoped3A : memref<!tpu.dma_semaphore, #tpu.memory_space<semaphore_mem>>) src(%dma_wait3A_82 : memref<1664xi32, #tpu.memory_space<hbm>>) dst(%arg5 : memref<1664xi32, #tpu.memory_space<vmem>>)
      tpu.yield
    }) : () -> ()
    %dma_start3A = arith.constant 0 : i32
    %dma_start3A_3 = arith.constant 0 : i32
    %dma_start3A_4 = tpu.memref_slice %arg3[%dma_start3A, %dma_start3A_3] : memref<2600000x32xf32, #tpu.memory_space<hbm>> -> memref<2600000x32xf32, #tpu.memory_space<hbm>>
    tpu.enqueue_indirect_dma source(%dma_start3A_4 : memref<2600000x32xf32, #tpu.memory_space<hbm>>) target(%arg7 : memref<1664x32xf32, #tpu.memory_space<vmem>>) offsets(%arg5 : memref<1664xi32, #tpu.memory_space<vmem>>) semaphore(%arg9 : memref<!tpu.dma_semaphore, #tpu.memory_space<semaphore_mem>>)
    %add3A_5 = arith.constant 1664 : i32
    %add3A_6 = arith.addi %mul3A_2, %add3A_5 : i32
    "tpu.region"() ({
      %run_scoped3A = tpu.sem_alloc : memref<!tpu.dma_semaphore, #tpu.memory_space<semaphore_mem>>
      %dma_start3A_79 = tpu.memref_slice %arg2[%add3A_6] : memref<425984xi32, #tpu.memory_space<hbm>> -> memref<1664xi32, #tpu.memory_space<hbm>>
      %dma_start3A_80 = tpu.memref_slice %arg2[%add3A_6] : memref<425984xi32, #tpu.memory_space<hbm>> -> memref<1664xi32, #tpu.memory_space<hbm>>
      tpu.enqueue_dma source(%dma_start3A_80 : memref<1664xi32, #tpu.memory_space<hbm>>) target(%arg6 : memref<1664xi32, #tpu.memory_space<vmem>>) target_semaphore(%run_scoped3A : memref<!tpu.dma_semaphore, #tpu.memory_space<semaphore_mem>>)
      %dma_wait3A_81 = tpu.memref_slice %arg2[%add3A_6] : memref<425984xi32, #tpu.memory_space<hbm>> -> memref<1664xi32, #tpu.memory_space<hbm>>
      %dma_wait3A_82 = tpu.memref_slice %arg2[%add3A_6] : memref<425984xi32, #tpu.memory_space<hbm>> -> memref<1664xi32, #tpu.memory_space<hbm>>
      tpu.wait_dma2 semaphore(%run_scoped3A : memref<!tpu.dma_semaphore, #tpu.memory_space<semaphore_mem>>) src(%dma_wait3A_82 : memref<1664xi32, #tpu.memory_space<hbm>>) dst(%arg6 : memref<1664xi32, #tpu.memory_space<vmem>>)
      tpu.yield
    }) : () -> ()
    %dma_wait3A = arith.constant 0 : i32
    %dma_wait3A_7 = arith.constant 0 : i32
    %dma_wait3A_8 = tpu.memref_slice %arg3[%dma_wait3A, %dma_wait3A_7] : memref<2600000x32xf32, #tpu.memory_space<hbm>> -> memref<2600000x32xf32, #tpu.memory_space<hbm>>
    tpu.wait_indirect_dma semaphore(%arg9 : memref<!tpu.dma_semaphore, #tpu.memory_space<semaphore_mem>>) src(%dma_wait3A_8 : memref<2600000x32xf32, #tpu.memory_space<hbm>>) dst(%arg7 : memref<1664x32xf32, #tpu.memory_space<vmem>>)
    %dma_start3A_9 = arith.constant 0 : i32
    %dma_start3A_10 = arith.constant 0 : i32
    %dma_start3A_11 = tpu.memref_slice %arg3[%dma_start3A_9, %dma_start3A_10] : memref<2600000x32xf32, #tpu.memory_space<hbm>> -> memref<2600000x32xf32, #tpu.memory_space<hbm>>
    tpu.enqueue_indirect_dma source(%dma_start3A_11 : memref<2600000x32xf32, #tpu.memory_space<hbm>>) target(%arg8 : memref<1664x32xf32, #tpu.memory_space<vmem>>) offsets(%arg6 : memref<1664xi32, #tpu.memory_space<vmem>>) semaphore(%arg10 : memref<!tpu.dma_semaphore, #tpu.memory_space<semaphore_mem>>)
    %add3A_12 = arith.constant 0 : i32
    %add3A_13 = arith.addi %mul3A_2, %add3A_12 : i32
    "tpu.region"() ({
      %run_scoped3A = tpu.sem_alloc : memref<!tpu.dma_semaphore, #tpu.memory_space<semaphore_mem>>
      %dma_start3A_79 = arith.constant 0 : i32
      %dma_start3A_80 = tpu.memref_slice %arg4[%add3A_13, %dma_start3A_79] : memref<425984x32xf32, #tpu.memory_space<hbm>> -> memref<1664x32xf32, #tpu.memory_space<hbm>>
      %dma_start3A_81 = arith.constant 0 : i32
      %dma_start3A_82 = tpu.memref_slice %arg4[%add3A_13, %dma_start3A_81] : memref<425984x32xf32, #tpu.memory_space<hbm>> -> memref<1664x32xf32, #tpu.memory_space<hbm>>
      tpu.enqueue_dma source(%arg7 : memref<1664x32xf32, #tpu.memory_space<vmem>>) target(%dma_start3A_82 : memref<1664x32xf32, #tpu.memory_space<hbm>>) target_semaphore(%run_scoped3A : memref<!tpu.dma_semaphore, #tpu.memory_space<semaphore_mem>>)
      %dma_wait3A_83 = arith.constant 0 : i32
      %dma_wait3A_84 = tpu.memref_slice %arg4[%add3A_13, %dma_wait3A_83] : memref<425984x32xf32, #tpu.memory_space<hbm>> -> memref<1664x32xf32, #tpu.memory_space<hbm>>
      %dma_wait3A_85 = arith.constant 0 : i32
      %dma_wait3A_86 = tpu.memref_slice %arg4[%add3A_13, %dma_wait3A_85] : memref<425984x32xf32, #tpu.memory_space<hbm>> -> memref<1664x32xf32, #tpu.memory_space<hbm>>
      tpu.wait_dma2 semaphore(%run_scoped3A : memref<!tpu.dma_semaphore, #tpu.memory_space<semaphore_mem>>) src(%arg7 : memref<1664x32xf32, #tpu.memory_space<vmem>>) dst(%dma_wait3A_86 : memref<1664x32xf32, #tpu.memory_space<hbm>>)
      tpu.yield
    }) : () -> ()
    %add3A_14 = arith.constant 3328 : i32
    %add3A_15 = arith.addi %mul3A_2, %add3A_14 : i32
    "tpu.region"() ({
      %run_scoped3A = tpu.sem_alloc : memref<!tpu.dma_semaphore, #tpu.memory_space<semaphore_mem>>
      %dma_start3A_79 = tpu.memref_slice %arg2[%add3A_15] : memref<425984xi32, #tpu.memory_space<hbm>> -> memref<1664xi32, #tpu.memory_space<hbm>>
      %dma_start3A_80 = tpu.memref_slice %arg2[%add3A_15] : memref<425984xi32, #tpu.memory_space<hbm>> -> memref<1664xi32, #tpu.memory_space<hbm>>
      tpu.enqueue_dma source(%dma_start3A_80 : memref<1664xi32, #tpu.memory_space<hbm>>) target(%arg5 : memref<1664xi32, #tpu.memory_space<vmem>>) target_semaphore(%run_scoped3A : memref<!tpu.dma_semaphore, #tpu.memory_space<semaphore_mem>>)
      %dma_wait3A_81 = tpu.memref_slice %arg2[%add3A_15] : memref<425984xi32, #tpu.memory_space<hbm>> -> memref<1664xi32, #tpu.memory_space<hbm>>
      %dma_wait3A_82 = tpu.memref_slice %arg2[%add3A_15] : memref<425984xi32, #tpu.memory_space<hbm>> -> memref<1664xi32, #tpu.memory_space<hbm>>
      tpu.wait_dma2 semaphore(%run_scoped3A : memref<!tpu.dma_semaphore, #tpu.memory_space<semaphore_mem>>) src(%dma_wait3A_82 : memref<1664xi32, #tpu.memory_space<hbm>>) dst(%arg5 : memref<1664xi32, #tpu.memory_space<vmem>>)
      tpu.yield
    }) : () -> ()
    %dma_wait3A_16 = arith.constant 0 : i32
    %dma_wait3A_17 = arith.constant 0 : i32
    %dma_wait3A_18 = tpu.memref_slice %arg3[%dma_wait3A_16, %dma_wait3A_17] : memref<2600000x32xf32, #tpu.memory_space<hbm>> -> memref<2600000x32xf32, #tpu.memory_space<hbm>>
    tpu.wait_indirect_dma semaphore(%arg10 : memref<!tpu.dma_semaphore, #tpu.memory_space<semaphore_mem>>) src(%dma_wait3A_18 : memref<2600000x32xf32, #tpu.memory_space<hbm>>) dst(%arg8 : memref<1664x32xf32, #tpu.memory_space<vmem>>)
    %dma_start3A_19 = arith.constant 0 : i32
    %dma_start3A_20 = arith.constant 0 : i32
    %dma_start3A_21 = tpu.memref_slice %arg3[%dma_start3A_19, %dma_start3A_20] : memref<2600000x32xf32, #tpu.memory_space<hbm>> -> memref<2600000x32xf32, #tpu.memory_space<hbm>>
    tpu.enqueue_indirect_dma source(%dma_start3A_21 : memref<2600000x32xf32, #tpu.memory_space<hbm>>) target(%arg7 : memref<1664x32xf32, #tpu.memory_space<vmem>>) offsets(%arg5 : memref<1664xi32, #tpu.memory_space<vmem>>) semaphore(%arg9 : memref<!tpu.dma_semaphore, #tpu.memory_space<semaphore_mem>>)
    %add3A_22 = arith.constant 1664 : i32
    %add3A_23 = arith.addi %mul3A_2, %add3A_22 : i32
    "tpu.region"() ({
      %run_scoped3A = tpu.sem_alloc : memref<!tpu.dma_semaphore, #tpu.memory_space<semaphore_mem>>
      %dma_start3A_79 = arith.constant 0 : i32
      %dma_start3A_80 = tpu.memref_slice %arg4[%add3A_23, %dma_start3A_79] : memref<425984x32xf32, #tpu.memory_space<hbm>> -> memref<1664x32xf32, #tpu.memory_space<hbm>>
      %dma_start3A_81 = arith.constant 0 : i32
      %dma_start3A_82 = tpu.memref_slice %arg4[%add3A_23, %dma_start3A_81] : memref<425984x32xf32, #tpu.memory_space<hbm>> -> memref<1664x32xf32, #tpu.memory_space<hbm>>
      tpu.enqueue_dma source(%arg8 : memref<1664x32xf32, #tpu.memory_space<vmem>>) target(%dma_start3A_82 : memref<1664x32xf32, #tpu.memory_space<hbm>>) target_semaphore(%run_scoped3A : memref<!tpu.dma_semaphore, #tpu.memory_space<semaphore_mem>>)
      %dma_wait3A_83 = arith.constant 0 : i32
      %dma_wait3A_84 = tpu.memref_slice %arg4[%add3A_23, %dma_wait3A_83] : memref<425984x32xf32, #tpu.memory_space<hbm>> -> memref<1664x32xf32, #tpu.memory_space<hbm>>
      %dma_wait3A_85 = arith.constant 0 : i32
      %dma_wait3A_86 = tpu.memref_slice %arg4[%add3A_23, %dma_wait3A_85] : memref<425984x32xf32, #tpu.memory_space<hbm>> -> memref<1664x32xf32, #tpu.memory_space<hbm>>
      tpu.wait_dma2 semaphore(%run_scoped3A : memref<!tpu.dma_semaphore, #tpu.memory_space<semaphore_mem>>) src(%arg8 : memref<1664x32xf32, #tpu.memory_space<vmem>>) dst(%dma_wait3A_86 : memref<1664x32xf32, #tpu.memory_space<hbm>>)
      tpu.yield
    }) : () -> ()
    %add3A_24 = arith.constant 4992 : i32
    %add3A_25 = arith.addi %mul3A_2, %add3A_24 : i32
    "tpu.region"() ({
      %run_scoped3A = tpu.sem_alloc : memref<!tpu.dma_semaphore, #tpu.memory_space<semaphore_mem>>
      %dma_start3A_79 = tpu.memref_slice %arg2[%add3A_25] : memref<425984xi32, #tpu.memory_space<hbm>> -> memref<1664xi32, #tpu.memory_space<hbm>>
      %dma_start3A_80 = tpu.memref_slice %arg2[%add3A_25] : memref<425984xi32, #tpu.memory_space<hbm>> -> memref<1664xi32, #tpu.memory_space<hbm>>
      tpu.enqueue_dma source(%dma_start3A_80 : memref<1664xi32, #tpu.memory_space<hbm>>) target(%arg6 : memref<1664xi32, #tpu.memory_space<vmem>>) target_semaphore(%run_scoped3A : memref<!tpu.dma_semaphore, #tpu.memory_space<semaphore_mem>>)
      %dma_wait3A_81 = tpu.memref_slice %arg2[%add3A_25] : memref<425984xi32, #tpu.memory_space<hbm>> -> memref<1664xi32, #tpu.memory_space<hbm>>
      %dma_wait3A_82 = tpu.memref_slice %arg2[%add3A_25] : memref<425984xi32, #tpu.memory_space<hbm>> -> memref<1664xi32, #tpu.memory_space<hbm>>
      tpu.wait_dma2 semaphore(%run_scoped3A : memref<!tpu.dma_semaphore, #tpu.memory_space<semaphore_mem>>) src(%dma_wait3A_82 : memref<1664xi32, #tpu.memory_space<hbm>>) dst(%arg6 : memref<1664xi32, #tpu.memory_space<vmem>>)
      tpu.yield
    }) : () -> ()
    %dma_wait3A_26 = arith.constant 0 : i32
    %dma_wait3A_27 = arith.constant 0 : i32
    %dma_wait3A_28 = tpu.memref_slice %arg3[%dma_wait3A_26, %dma_wait3A_27] : memref<2600000x32xf32, #tpu.memory_space<hbm>> -> memref<2600000x32xf32, #tpu.memory_space<hbm>>
    tpu.wait_indirect_dma semaphore(%arg9 : memref<!tpu.dma_semaphore, #tpu.memory_space<semaphore_mem>>) src(%dma_wait3A_28 : memref<2600000x32xf32, #tpu.memory_space<hbm>>) dst(%arg7 : memref<1664x32xf32, #tpu.memory_space<vmem>>)
    %dma_start3A_29 = arith.constant 0 : i32
    %dma_start3A_30 = arith.constant 0 : i32
    %dma_start3A_31 = tpu.memref_slice %arg3[%dma_start3A_29, %dma_start3A_30] : memref<2600000x32xf32, #tpu.memory_space<hbm>> -> memref<2600000x32xf32, #tpu.memory_space<hbm>>
    tpu.enqueue_indirect_dma source(%dma_start3A_31 : memref<2600000x32xf32, #tpu.memory_space<hbm>>) target(%arg8 : memref<1664x32xf32, #tpu.memory_space<vmem>>) offsets(%arg6 : memref<1664xi32, #tpu.memory_space<vmem>>) semaphore(%arg10 : memref<!tpu.dma_semaphore, #tpu.memory_space<semaphore_mem>>)
    %add3A_32 = arith.constant 3328 : i32
    %add3A_33 = arith.addi %mul3A_2, %add3A_32 : i32
    "tpu.region"() ({
      %run_scoped3A = tpu.sem_alloc : memref<!tpu.dma_semaphore, #tpu.memory_space<semaphore_mem>>
      %dma_start3A_79 = arith.constant 0 : i32
      %dma_start3A_80 = tpu.memref_slice %arg4[%add3A_33, %dma_start3A_79] : memref<425984x32xf32, #tpu.memory_space<hbm>> -> memref<1664x32xf32, #tpu.memory_space<hbm>>
      %dma_start3A_81 = arith.constant 0 : i32
      %dma_start3A_82 = tpu.memref_slice %arg4[%add3A_33, %dma_start3A_81] : memref<425984x32xf32, #tpu.memory_space<hbm>> -> memref<1664x32xf32, #tpu.memory_space<hbm>>
      tpu.enqueue_dma source(%arg7 : memref<1664x32xf32, #tpu.memory_space<vmem>>) target(%dma_start3A_82 : memref<1664x32xf32, #tpu.memory_space<hbm>>) target_semaphore(%run_scoped3A : memref<!tpu.dma_semaphore, #tpu.memory_space<semaphore_mem>>)
      %dma_wait3A_83 = arith.constant 0 : i32
      %dma_wait3A_84 = tpu.memref_slice %arg4[%add3A_33, %dma_wait3A_83] : memref<425984x32xf32, #tpu.memory_space<hbm>> -> memref<1664x32xf32, #tpu.memory_space<hbm>>
      %dma_wait3A_85 = arith.constant 0 : i32
      %dma_wait3A_86 = tpu.memref_slice %arg4[%add3A_33, %dma_wait3A_85] : memref<425984x32xf32, #tpu.memory_space<hbm>> -> memref<1664x32xf32, #tpu.memory_space<hbm>>
      tpu.wait_dma2 semaphore(%run_scoped3A : memref<!tpu.dma_semaphore, #tpu.memory_space<semaphore_mem>>) src(%arg7 : memref<1664x32xf32, #tpu.memory_space<vmem>>) dst(%dma_wait3A_86 : memref<1664x32xf32, #tpu.memory_space<hbm>>)
      tpu.yield
    }) : () -> ()
    %add3A_34 = arith.constant 6656 : i32
    %add3A_35 = arith.addi %mul3A_2, %add3A_34 : i32
    "tpu.region"() ({
      %run_scoped3A = tpu.sem_alloc : memref<!tpu.dma_semaphore, #tpu.memory_space<semaphore_mem>>
      %dma_start3A_79 = tpu.memref_slice %arg2[%add3A_35] : memref<425984xi32, #tpu.memory_space<hbm>> -> memref<1664xi32, #tpu.memory_space<hbm>>
      %dma_start3A_80 = tpu.memref_slice %arg2[%add3A_35] : memref<425984xi32, #tpu.memory_space<hbm>> -> memref<1664xi32, #tpu.memory_space<hbm>>
      tpu.enqueue_dma source(%dma_start3A_80 : memref<1664xi32, #tpu.memory_space<hbm>>) target(%arg5 : memref<1664xi32, #tpu.memory_space<vmem>>) target_semaphore(%run_scoped3A : memref<!tpu.dma_semaphore, #tpu.memory_space<semaphore_mem>>)
      %dma_wait3A_81 = tpu.memref_slice %arg2[%add3A_35] : memref<425984xi32, #tpu.memory_space<hbm>> -> memref<1664xi32, #tpu.memory_space<hbm>>
      %dma_wait3A_82 = tpu.memref_slice %arg2[%add3A_35] : memref<425984xi32, #tpu.memory_space<hbm>> -> memref<1664xi32, #tpu.memory_space<hbm>>
      tpu.wait_dma2 semaphore(%run_scoped3A : memref<!tpu.dma_semaphore, #tpu.memory_space<semaphore_mem>>) src(%dma_wait3A_82 : memref<1664xi32, #tpu.memory_space<hbm>>) dst(%arg5 : memref<1664xi32, #tpu.memory_space<vmem>>)
      tpu.yield
    }) : () -> ()
    %dma_wait3A_36 = arith.constant 0 : i32
    %dma_wait3A_37 = arith.constant 0 : i32
    %dma_wait3A_38 = tpu.memref_slice %arg3[%dma_wait3A_36, %dma_wait3A_37] : memref<2600000x32xf32, #tpu.memory_space<hbm>> -> memref<2600000x32xf32, #tpu.memory_space<hbm>>
    tpu.wait_indirect_dma semaphore(%arg10 : memref<!tpu.dma_semaphore, #tpu.memory_space<semaphore_mem>>) src(%dma_wait3A_38 : memref<2600000x32xf32, #tpu.memory_space<hbm>>) dst(%arg8 : memref<1664x32xf32, #tpu.memory_space<vmem>>)
    %dma_start3A_39 = arith.constant 0 : i32
    %dma_start3A_40 = arith.constant 0 : i32
    %dma_start3A_41 = tpu.memref_slice %arg3[%dma_start3A_39, %dma_start3A_40] : memref<2600000x32xf32, #tpu.memory_space<hbm>> -> memref<2600000x32xf32, #tpu.memory_space<hbm>>
    tpu.enqueue_indirect_dma source(%dma_start3A_41 : memref<2600000x32xf32, #tpu.memory_space<hbm>>) target(%arg7 : memref<1664x32xf32, #tpu.memory_space<vmem>>) offsets(%arg5 : memref<1664xi32, #tpu.memory_space<vmem>>) semaphore(%arg9 : memref<!tpu.dma_semaphore, #tpu.memory_space<semaphore_mem>>)
    %add3A_42 = arith.constant 4992 : i32
    %add3A_43 = arith.addi %mul3A_2, %add3A_42 : i32
    "tpu.region"() ({
      %run_scoped3A = tpu.sem_alloc : memref<!tpu.dma_semaphore, #tpu.memory_space<semaphore_mem>>
      %dma_start3A_79 = arith.constant 0 : i32
      %dma_start3A_80 = tpu.memref_slice %arg4[%add3A_43, %dma_start3A_79] : memref<425984x32xf32, #tpu.memory_space<hbm>> -> memref<1664x32xf32, #tpu.memory_space<hbm>>
      %dma_start3A_81 = arith.constant 0 : i32
      %dma_start3A_82 = tpu.memref_slice %arg4[%add3A_43, %dma_start3A_81] : memref<425984x32xf32, #tpu.memory_space<hbm>> -> memref<1664x32xf32, #tpu.memory_space<hbm>>
      tpu.enqueue_dma source(%arg8 : memref<1664x32xf32, #tpu.memory_space<vmem>>) target(%dma_start3A_82 : memref<1664x32xf32, #tpu.memory_space<hbm>>) target_semaphore(%run_scoped3A : memref<!tpu.dma_semaphore, #tpu.memory_space<semaphore_mem>>)
      %dma_wait3A_83 = arith.constant 0 : i32
      %dma_wait3A_84 = tpu.memref_slice %arg4[%add3A_43, %dma_wait3A_83] : memref<425984x32xf32, #tpu.memory_space<hbm>> -> memref<1664x32xf32, #tpu.memory_space<hbm>>
      %dma_wait3A_85 = arith.constant 0 : i32
      %dma_wait3A_86 = tpu.memref_slice %arg4[%add3A_43, %dma_wait3A_85] : memref<425984x32xf32, #tpu.memory_space<hbm>> -> memref<1664x32xf32, #tpu.memory_space<hbm>>
      tpu.wait_dma2 semaphore(%run_scoped3A : memref<!tpu.dma_semaphore, #tpu.memory_space<semaphore_mem>>) src(%arg8 : memref<1664x32xf32, #tpu.memory_space<vmem>>) dst(%dma_wait3A_86 : memref<1664x32xf32, #tpu.memory_space<hbm>>)
      tpu.yield
    }) : () -> ()
    %add3A_44 = arith.constant 8320 : i32
    %add3A_45 = arith.addi %mul3A_2, %add3A_44 : i32
    "tpu.region"() ({
      %run_scoped3A = tpu.sem_alloc : memref<!tpu.dma_semaphore, #tpu.memory_space<semaphore_mem>>
      %dma_start3A_79 = tpu.memref_slice %arg2[%add3A_45] : memref<425984xi32, #tpu.memory_space<hbm>> -> memref<1664xi32, #tpu.memory_space<hbm>>
      %dma_start3A_80 = tpu.memref_slice %arg2[%add3A_45] : memref<425984xi32, #tpu.memory_space<hbm>> -> memref<1664xi32, #tpu.memory_space<hbm>>
      tpu.enqueue_dma source(%dma_start3A_80 : memref<1664xi32, #tpu.memory_space<hbm>>) target(%arg6 : memref<1664xi32, #tpu.memory_space<vmem>>) target_semaphore(%run_scoped3A : memref<!tpu.dma_semaphore, #tpu.memory_space<semaphore_mem>>)
      %dma_wait3A_81 = tpu.memref_slice %arg2[%add3A_45] : memref<425984xi32, #tpu.memory_space<hbm>> -> memref<1664xi32, #tpu.memory_space<hbm>>
      %dma_wait3A_82 = tpu.memref_slice %arg2[%add3A_45] : memref<425984xi32, #tpu.memory_space<hbm>> -> memref<1664xi32, #tpu.memory_space<hbm>>
      tpu.wait_dma2 semaphore(%run_scoped3A : memref<!tpu.dma_semaphore, #tpu.memory_space<semaphore_mem>>) src(%dma_wait3A_82 : memref<1664xi32, #tpu.memory_space<hbm>>) dst(%arg6 : memref<1664xi32, #tpu.memory_space<vmem>>)
      tpu.yield
    }) : () -> ()
    %dma_wait3A_46 = arith.constant 0 : i32
    %dma_wait3A_47 = arith.constant 0 : i32
    %dma_wait3A_48 = tpu.memref_slice %arg3[%dma_wait3A_46, %dma_wait3A_47] : memref<2600000x32xf32, #tpu.memory_space<hbm>> -> memref<2600000x32xf32, #tpu.memory_space<hbm>>
    tpu.wait_indirect_dma semaphore(%arg9 : memref<!tpu.dma_semaphore, #tpu.memory_space<semaphore_mem>>) src(%dma_wait3A_48 : memref<2600000x32xf32, #tpu.memory_space<hbm>>) dst(%arg7 : memref<1664x32xf32, #tpu.memory_space<vmem>>)
    %dma_start3A_49 = arith.constant 0 : i32
    %dma_start3A_50 = arith.constant 0 : i32
    %dma_start3A_51 = tpu.memref_slice %arg3[%dma_start3A_49, %dma_start3A_50] : memref<2600000x32xf32, #tpu.memory_space<hbm>> -> memref<2600000x32xf32, #tpu.memory_space<hbm>>
    tpu.enqueue_indirect_dma source(%dma_start3A_51 : memref<2600000x32xf32, #tpu.memory_space<hbm>>) target(%arg8 : memref<1664x32xf32, #tpu.memory_space<vmem>>) offsets(%arg6 : memref<1664xi32, #tpu.memory_space<vmem>>) semaphore(%arg10 : memref<!tpu.dma_semaphore, #tpu.memory_space<semaphore_mem>>)
    %add3A_52 = arith.constant 6656 : i32
    %add3A_53 = arith.addi %mul3A_2, %add3A_52 : i32
    "tpu.region"() ({
      %run_scoped3A = tpu.sem_alloc : memref<!tpu.dma_semaphore, #tpu.memory_space<semaphore_mem>>
      %dma_start3A_79 = arith.constant 0 : i32
      %dma_start3A_80 = tpu.memref_slice %arg4[%add3A_53, %dma_start3A_79] : memref<425984x32xf32, #tpu.memory_space<hbm>> -> memref<1664x32xf32, #tpu.memory_space<hbm>>
      %dma_start3A_81 = arith.constant 0 : i32
      %dma_start3A_82 = tpu.memref_slice %arg4[%add3A_53, %dma_start3A_81] : memref<425984x32xf32, #tpu.memory_space<hbm>> -> memref<1664x32xf32, #tpu.memory_space<hbm>>
      tpu.enqueue_dma source(%arg7 : memref<1664x32xf32, #tpu.memory_space<vmem>>) target(%dma_start3A_82 : memref<1664x32xf32, #tpu.memory_space<hbm>>) target_semaphore(%run_scoped3A : memref<!tpu.dma_semaphore, #tpu.memory_space<semaphore_mem>>)
      %dma_wait3A_83 = arith.constant 0 : i32
      %dma_wait3A_84 = tpu.memref_slice %arg4[%add3A_53, %dma_wait3A_83] : memref<425984x32xf32, #tpu.memory_space<hbm>> -> memref<1664x32xf32, #tpu.memory_space<hbm>>
      %dma_wait3A_85 = arith.constant 0 : i32
      %dma_wait3A_86 = tpu.memref_slice %arg4[%add3A_53, %dma_wait3A_85] : memref<425984x32xf32, #tpu.memory_space<hbm>> -> memref<1664x32xf32, #tpu.memory_space<hbm>>
      tpu.wait_dma2 semaphore(%run_scoped3A : memref<!tpu.dma_semaphore, #tpu.memory_space<semaphore_mem>>) src(%arg7 : memref<1664x32xf32, #tpu.memory_space<vmem>>) dst(%dma_wait3A_86 : memref<1664x32xf32, #tpu.memory_space<hbm>>)
      tpu.yield
    }) : () -> ()
    %add3A_54 = arith.constant 9984 : i32
    %add3A_55 = arith.addi %mul3A_2, %add3A_54 : i32
    "tpu.region"() ({
      %run_scoped3A = tpu.sem_alloc : memref<!tpu.dma_semaphore, #tpu.memory_space<semaphore_mem>>
      %dma_start3A_79 = tpu.memref_slice %arg2[%add3A_55] : memref<425984xi32, #tpu.memory_space<hbm>> -> memref<1664xi32, #tpu.memory_space<hbm>>
      %dma_start3A_80 = tpu.memref_slice %arg2[%add3A_55] : memref<425984xi32, #tpu.memory_space<hbm>> -> memref<1664xi32, #tpu.memory_space<hbm>>
      tpu.enqueue_dma source(%dma_start3A_80 : memref<1664xi32, #tpu.memory_space<hbm>>) target(%arg5 : memref<1664xi32, #tpu.memory_space<vmem>>) target_semaphore(%run_scoped3A : memref<!tpu.dma_semaphore, #tpu.memory_space<semaphore_mem>>)
      %dma_wait3A_81 = tpu.memref_slice %arg2[%add3A_55] : memref<425984xi32, #tpu.memory_space<hbm>> -> memref<1664xi32, #tpu.memory_space<hbm>>
      %dma_wait3A_82 = tpu.memref_slice %arg2[%add3A_55] : memref<425984xi32, #tpu.memory_space<hbm>> -> memref<1664xi32, #tpu.memory_space<hbm>>
      tpu.wait_dma2 semaphore(%run_scoped3A : memref<!tpu.dma_semaphore, #tpu.memory_space<semaphore_mem>>) src(%dma_wait3A_82 : memref<1664xi32, #tpu.memory_space<hbm>>) dst(%arg5 : memref<1664xi32, #tpu.memory_space<vmem>>)
      tpu.yield
    }) : () -> ()
    %dma_wait3A_56 = arith.constant 0 : i32
    %dma_wait3A_57 = arith.constant 0 : i32
    %dma_wait3A_58 = tpu.memref_slice %arg3[%dma_wait3A_56, %dma_wait3A_57] : memref<2600000x32xf32, #tpu.memory_space<hbm>> -> memref<2600000x32xf32, #tpu.memory_space<hbm>>
    tpu.wait_indirect_dma semaphore(%arg10 : memref<!tpu.dma_semaphore, #tpu.memory_space<semaphore_mem>>) src(%dma_wait3A_58 : memref<2600000x32xf32, #tpu.memory_space<hbm>>) dst(%arg8 : memref<1664x32xf32, #tpu.memory_space<vmem>>)
    %dma_start3A_59 = arith.constant 0 : i32
    %dma_start3A_60 = arith.constant 0 : i32
    %dma_start3A_61 = tpu.memref_slice %arg3[%dma_start3A_59, %dma_start3A_60] : memref<2600000x32xf32, #tpu.memory_space<hbm>> -> memref<2600000x32xf32, #tpu.memory_space<hbm>>
    tpu.enqueue_indirect_dma source(%dma_start3A_61 : memref<2600000x32xf32, #tpu.memory_space<hbm>>) target(%arg7 : memref<1664x32xf32, #tpu.memory_space<vmem>>) offsets(%arg5 : memref<1664xi32, #tpu.memory_space<vmem>>) semaphore(%arg9 : memref<!tpu.dma_semaphore, #tpu.memory_space<semaphore_mem>>)
    %add3A_62 = arith.constant 8320 : i32
    %add3A_63 = arith.addi %mul3A_2, %add3A_62 : i32
    "tpu.region"() ({
      %run_scoped3A = tpu.sem_alloc : memref<!tpu.dma_semaphore, #tpu.memory_space<semaphore_mem>>
      %dma_start3A_79 = arith.constant 0 : i32
      %dma_start3A_80 = tpu.memref_slice %arg4[%add3A_63, %dma_start3A_79] : memref<425984x32xf32, #tpu.memory_space<hbm>> -> memref<1664x32xf32, #tpu.memory_space<hbm>>
      %dma_start3A_81 = arith.constant 0 : i32
      %dma_start3A_82 = tpu.memref_slice %arg4[%add3A_63, %dma_start3A_81] : memref<425984x32xf32, #tpu.memory_space<hbm>> -> memref<1664x32xf32, #tpu.memory_space<hbm>>
      tpu.enqueue_dma source(%arg8 : memref<1664x32xf32, #tpu.memory_space<vmem>>) target(%dma_start3A_82 : memref<1664x32xf32, #tpu.memory_space<hbm>>) target_semaphore(%run_scoped3A : memref<!tpu.dma_semaphore, #tpu.memory_space<semaphore_mem>>)
      %dma_wait3A_83 = arith.constant 0 : i32
      %dma_wait3A_84 = tpu.memref_slice %arg4[%add3A_63, %dma_wait3A_83] : memref<425984x32xf32, #tpu.memory_space<hbm>> -> memref<1664x32xf32, #tpu.memory_space<hbm>>
      %dma_wait3A_85 = arith.constant 0 : i32
      %dma_wait3A_86 = tpu.memref_slice %arg4[%add3A_63, %dma_wait3A_85] : memref<425984x32xf32, #tpu.memory_space<hbm>> -> memref<1664x32xf32, #tpu.memory_space<hbm>>
      tpu.wait_dma2 semaphore(%run_scoped3A : memref<!tpu.dma_semaphore, #tpu.memory_space<semaphore_mem>>) src(%arg8 : memref<1664x32xf32, #tpu.memory_space<vmem>>) dst(%dma_wait3A_86 : memref<1664x32xf32, #tpu.memory_space<hbm>>)
      tpu.yield
    }) : () -> ()
    %add3A_64 = arith.constant 11648 : i32
    %add3A_65 = arith.addi %mul3A_2, %add3A_64 : i32
    "tpu.region"() ({
      %run_scoped3A = tpu.sem_alloc : memref<!tpu.dma_semaphore, #tpu.memory_space<semaphore_mem>>
      %dma_start3A_79 = tpu.memref_slice %arg2[%add3A_65] : memref<425984xi32, #tpu.memory_space<hbm>> -> memref<1664xi32, #tpu.memory_space<hbm>>
      %dma_start3A_80 = tpu.memref_slice %arg2[%add3A_65] : memref<425984xi32, #tpu.memory_space<hbm>> -> memref<1664xi32, #tpu.memory_space<hbm>>
      tpu.enqueue_dma source(%dma_start3A_80 : memref<1664xi32, #tpu.memory_space<hbm>>) target(%arg6 : memref<1664xi32, #tpu.memory_space<vmem>>) target_semaphore(%run_scoped3A : memref<!tpu.dma_semaphore, #tpu.memory_space<semaphore_mem>>)
      %dma_wait3A_81 = tpu.memref_slice %arg2[%add3A_65] : memref<425984xi32, #tpu.memory_space<hbm>> -> memref<1664xi32, #tpu.memory_space<hbm>>
      %dma_wait3A_82 = tpu.memref_slice %arg2[%add3A_65] : memref<425984xi32, #tpu.memory_space<hbm>> -> memref<1664xi32, #tpu.memory_space<hbm>>
      tpu.wait_dma2 semaphore(%run_scoped3A : memref<!tpu.dma_semaphore, #tpu.memory_space<semaphore_mem>>) src(%dma_wait3A_82 : memref<1664xi32, #tpu.memory_space<hbm>>) dst(%arg6 : memref<1664xi32, #tpu.memory_space<vmem>>)
      tpu.yield
    }) : () -> ()
    %dma_wait3A_66 = arith.constant 0 : i32
    %dma_wait3A_67 = arith.constant 0 : i32
    %dma_wait3A_68 = tpu.memref_slice %arg3[%dma_wait3A_66, %dma_wait3A_67] : memref<2600000x32xf32, #tpu.memory_space<hbm>> -> memref<2600000x32xf32, #tpu.memory_space<hbm>>
    tpu.wait_indirect_dma semaphore(%arg9 : memref<!tpu.dma_semaphore, #tpu.memory_space<semaphore_mem>>) src(%dma_wait3A_68 : memref<2600000x32xf32, #tpu.memory_space<hbm>>) dst(%arg7 : memref<1664x32xf32, #tpu.memory_space<vmem>>)
    %dma_start3A_69 = arith.constant 0 : i32
    %dma_start3A_70 = arith.constant 0 : i32
    %dma_start3A_71 = tpu.memref_slice %arg3[%dma_start3A_69, %dma_start3A_70] : memref<2600000x32xf32, #tpu.memory_space<hbm>> -> memref<2600000x32xf32, #tpu.memory_space<hbm>>
    tpu.enqueue_indirect_dma source(%dma_start3A_71 : memref<2600000x32xf32, #tpu.memory_space<hbm>>) target(%arg8 : memref<1664x32xf32, #tpu.memory_space<vmem>>) offsets(%arg6 : memref<1664xi32, #tpu.memory_space<vmem>>) semaphore(%arg10 : memref<!tpu.dma_semaphore, #tpu.memory_space<semaphore_mem>>)
    %add3A_72 = arith.constant 9984 : i32
    %add3A_73 = arith.addi %mul3A_2, %add3A_72 : i32
    "tpu.region"() ({
      %run_scoped3A = tpu.sem_alloc : memref<!tpu.dma_semaphore, #tpu.memory_space<semaphore_mem>>
      %dma_start3A_79 = arith.constant 0 : i32
      %dma_start3A_80 = tpu.memref_slice %arg4[%add3A_73, %dma_start3A_79] : memref<425984x32xf32, #tpu.memory_space<hbm>> -> memref<1664x32xf32, #tpu.memory_space<hbm>>
      %dma_start3A_81 = arith.constant 0 : i32
      %dma_start3A_82 = tpu.memref_slice %arg4[%add3A_73, %dma_start3A_81] : memref<425984x32xf32, #tpu.memory_space<hbm>> -> memref<1664x32xf32, #tpu.memory_space<hbm>>
      tpu.enqueue_dma source(%arg7 : memref<1664x32xf32, #tpu.memory_space<vmem>>) target(%dma_start3A_82 : memref<1664x32xf32, #tpu.memory_space<hbm>>) target_semaphore(%run_scoped3A : memref<!tpu.dma_semaphore, #tpu.memory_space<semaphore_mem>>)
      %dma_wait3A_83 = arith.constant 0 : i32
      %dma_wait3A_84 = tpu.memref_slice %arg4[%add3A_73, %dma_wait3A_83] : memref<425984x32xf32, #tpu.memory_space<hbm>> -> memref<1664x32xf32, #tpu.memory_space<hbm>>
      %dma_wait3A_85 = arith.constant 0 : i32
      %dma_wait3A_86 = tpu.memref_slice %arg4[%add3A_73, %dma_wait3A_85] : memref<425984x32xf32, #tpu.memory_space<hbm>> -> memref<1664x32xf32, #tpu.memory_space<hbm>>
      tpu.wait_dma2 semaphore(%run_scoped3A : memref<!tpu.dma_semaphore, #tpu.memory_space<semaphore_mem>>) src(%arg7 : memref<1664x32xf32, #tpu.memory_space<vmem>>) dst(%dma_wait3A_86 : memref<1664x32xf32, #tpu.memory_space<hbm>>)
      tpu.yield
    }) : () -> ()
    %dma_wait3A_74 = arith.constant 0 : i32
    %dma_wait3A_75 = arith.constant 0 : i32
    %dma_wait3A_76 = tpu.memref_slice %arg3[%dma_wait3A_74, %dma_wait3A_75] : memref<2600000x32xf32, #tpu.memory_space<hbm>> -> memref<2600000x32xf32, #tpu.memory_space<hbm>>
    tpu.wait_indirect_dma semaphore(%arg10 : memref<!tpu.dma_semaphore, #tpu.memory_space<semaphore_mem>>) src(%dma_wait3A_76 : memref<2600000x32xf32, #tpu.memory_space<hbm>>) dst(%arg8 : memref<1664x32xf32, #tpu.memory_space<vmem>>)
    %add3A_77 = arith.constant 11648 : i32
    %add3A_78 = arith.addi %mul3A_2, %add3A_77 : i32
    "tpu.region"() ({
      %run_scoped3A = tpu.sem_alloc : memref<!tpu.dma_semaphore, #tpu.memory_space<semaphore_mem>>
      %dma_start3A_79 = arith.constant 0 : i32
      %dma_start3A_80 = tpu.memref_slice %arg4[%add3A_78, %dma_start3A_79] : memref<425984x32xf32, #tpu.memory_space<hbm>> -> memref<1664x32xf32, #tpu.memory_space<hbm>>
      %dma_start3A_81 = arith.constant 0 : i32
      %dma_start3A_82 = tpu.memref_slice %arg4[%add3A_78, %dma_start3A_81] : memref<425984x32xf32, #tpu.memory_space<hbm>> -> memref<1664x32xf32, #tpu.memory_space<hbm>>
      tpu.enqueue_dma source(%arg8 : memref<1664x32xf32, #tpu.memory_space<vmem>>) target(%dma_start3A_82 : memref<1664x32xf32, #tpu.memory_space<hbm>>) target_semaphore(%run_scoped3A : memref<!tpu.dma_semaphore, #tpu.memory_space<semaphore_mem>>)
      %dma_wait3A_83 = arith.constant 0 : i32
      %dma_wait3A_84 = tpu.memref_slice %arg4[%add3A_78, %dma_wait3A_83] : memref<425984x32xf32, #tpu.memory_space<hbm>> -> memref<1664x32xf32, #tpu.memory_space<hbm>>
      %dma_wait3A_85 = arith.constant 0 : i32
      %dma_wait3A_86 = tpu.memref_slice %arg4[%add3A_78, %dma_wait3A_85] : memref<425984x32xf32, #tpu.memory_space<hbm>> -> memref<1664x32xf32, #tpu.memory_space<hbm>>
      tpu.wait_dma2 semaphore(%run_scoped3A : memref<!tpu.dma_semaphore, #tpu.memory_space<semaphore_mem>>) src(%arg8 : memref<1664x32xf32, #tpu.memory_space<vmem>>) dst(%dma_wait3A_86 : memref<1664x32xf32, #tpu.memory_space<hbm>>)
      tpu.yield
    }) : () -> ()
    return
  }
}

module attributes {stable_mosaic.version = 14 : i64} {
  func.func @_mlp_body(%arg0: i32, %arg1: memref<512x832xf32, #tpu.memory_space<vmem>>, %arg2: memref<512x13xf32, #tpu.memory_space<vmem>>, %arg3: memref<512x1xf32, #tpu.memory_space<vmem>>, %arg4: memref<832x256xf32, #tpu.memory_space<vmem>>, %arg5: memref<13x256xf32, #tpu.memory_space<vmem>>, %arg6: memref<1x256xf32, #tpu.memory_space<vmem>>, %arg7: memref<256x128xf32, #tpu.memory_space<vmem>>, %arg8: memref<1x128xf32, #tpu.memory_space<vmem>>, %arg9: memref<128x64xf32, #tpu.memory_space<vmem>>, %arg10: memref<1x64xf32, #tpu.memory_space<vmem>>, %arg11: memref<64x1xf32, #tpu.memory_space<vmem>>, %arg12: memref<1x1xf32, #tpu.memory_space<vmem>>, %arg13: memref<512x1xf32, #tpu.memory_space<vmem>>) attributes {dimension_semantics = [#tpu.dimension_semantics<arbitrary>], iteration_bounds = array<i64: 32>, scalar_prefetch = 0 : i64, scratch_operands = 0 : i64, tpu.core_type = #tpu.core_type<tc>, window_params = [{transform_indices = @transform_0, window_bounds = array<i64: 512, 832>}, {transform_indices = @transform_1, window_bounds = array<i64: 512, 13>}, {transform_indices = @transform_2, window_bounds = array<i64: 512, 1>}, {pipeline_mode = #tpu.pipeline_mode<synchronous>, transform_indices = @transform_3, window_bounds = array<i64: 832, 256>}, {pipeline_mode = #tpu.pipeline_mode<synchronous>, transform_indices = @transform_4, window_bounds = array<i64: 13, 256>}, {pipeline_mode = #tpu.pipeline_mode<synchronous>, transform_indices = @transform_5, window_bounds = array<i64: 1, 256>}, {pipeline_mode = #tpu.pipeline_mode<synchronous>, transform_indices = @transform_6, window_bounds = array<i64: 256, 128>}, {pipeline_mode = #tpu.pipeline_mode<synchronous>, transform_indices = @transform_7, window_bounds = array<i64: 1, 128>}, {pipeline_mode = #tpu.pipeline_mode<synchronous>, transform_indices = @transform_8, window_bounds = array<i64: 128, 64>}, {pipeline_mode = #tpu.pipeline_mode<synchronous>, transform_indices = @transform_9, window_bounds = array<i64: 1, 64>}, {pipeline_mode = #tpu.pipeline_mode<synchronous>, transform_indices = @transform_10, window_bounds = array<i64: 64, 1>}, {pipeline_mode = #tpu.pipeline_mode<synchronous>, transform_indices = @transform_11, window_bounds = array<i64: 1, 1>}, {transform_indices = @transform_12, window_bounds = array<i64: 512, 1>}]} {
    %get3A = arith.constant 0 : index
    %get3A_0 = arith.constant 0 : index
    %get3A_1 = vector.load %arg1[%get3A, %get3A_0] : memref<512x832xf32, #tpu.memory_space<vmem>>, vector<512x832xf32>
    %get3A_2 = arith.constant 0 : index
    %get3A_3 = arith.constant 0 : index
    %get3A_4 = vector.load %arg4[%get3A_2, %get3A_3] : memref<832x256xf32, #tpu.memory_space<vmem>>, vector<832x256xf32>
    %dot_general3A = arith.constant dense<0.000000e+00> : vector<512x256xf32>
    %dot_general3A_5 = tpu.matmul %get3A_1, %get3A_4, %dot_general3A {dimension_numbers = #tpu.dot_dimension_numbers<[1], [0], [0], [1], [0, 0, 1, 1], [], []>, transpose_lhs_hint = false} : vector<512x832xf32>, vector<832x256xf32>, vector<512x256xf32> -> vector<512x256xf32>
    %get3A_6 = arith.constant 0 : index
    %get3A_7 = arith.constant 0 : index
    %get3A_8 = vector.load %arg2[%get3A_6, %get3A_7] : memref<512x13xf32, #tpu.memory_space<vmem>>, vector<512x13xf32>
    %get3A_9 = arith.constant 0 : index
    %get3A_10 = arith.constant 0 : index
    %get3A_11 = vector.load %arg5[%get3A_9, %get3A_10] : memref<13x256xf32, #tpu.memory_space<vmem>>, vector<13x256xf32>
    %dot_general3A_12 = arith.constant dense<0.000000e+00> : vector<512x256xf32>
    %dot_general3A_13 = tpu.matmul %get3A_8, %get3A_11, %dot_general3A_12 {dimension_numbers = #tpu.dot_dimension_numbers<[1], [0], [0], [1], [0, 0, 1, 1], [], []>, transpose_lhs_hint = false} : vector<512x13xf32>, vector<13x256xf32>, vector<512x256xf32> -> vector<512x256xf32>
    %add3A = arith.addf %dot_general3A_5, %dot_general3A_13 : vector<512x256xf32>
    %get3A_14 = arith.constant 0 : index
    %get3A_15 = arith.constant 0 : index
    %get3A_16 = vector.load %arg6[%get3A_14, %get3A_15] : memref<1x256xf32, #tpu.memory_space<vmem>>, vector<1x256xf32>
    %add3A_17 = vector.broadcast %get3A_16 : vector<1x256xf32> to vector<512x256xf32>
    %add3A_18 = arith.addf %add3A, %add3A_17 : vector<512x256xf32>
    %max3A = arith.constant 0.000000e+00 : f32
    %max3A_19 = vector.broadcast %max3A : f32 to vector<512x256xf32>
    %max3A_20 = arith.maximumf %add3A_18, %max3A_19 : vector<512x256xf32>
    %get3A_21 = arith.constant 0 : index
    %get3A_22 = arith.constant 0 : index
    %get3A_23 = vector.load %arg7[%get3A_21, %get3A_22] : memref<256x128xf32, #tpu.memory_space<vmem>>, vector<256x128xf32>
    %dot_general3A_24 = arith.constant dense<0.000000e+00> : vector<512x128xf32>
    %dot_general3A_25 = tpu.matmul %max3A_20, %get3A_23, %dot_general3A_24 {dimension_numbers = #tpu.dot_dimension_numbers<[1], [0], [0], [1], [0, 0, 1, 1], [], []>, transpose_lhs_hint = false} : vector<512x256xf32>, vector<256x128xf32>, vector<512x128xf32> -> vector<512x128xf32>
    %get3A_26 = arith.constant 0 : index
    %get3A_27 = arith.constant 0 : index
    %get3A_28 = vector.load %arg8[%get3A_26, %get3A_27] : memref<1x128xf32, #tpu.memory_space<vmem>>, vector<1x128xf32>
    %add3A_29 = vector.broadcast %get3A_28 : vector<1x128xf32> to vector<512x128xf32>
    %add3A_30 = arith.addf %dot_general3A_25, %add3A_29 : vector<512x128xf32>
    %max3A_31 = arith.constant 0.000000e+00 : f32
    %max3A_32 = vector.broadcast %max3A_31 : f32 to vector<512x128xf32>
    %max3A_33 = arith.maximumf %add3A_30, %max3A_32 : vector<512x128xf32>
    %get3A_34 = arith.constant 0 : index
    %get3A_35 = arith.constant 0 : index
    %get3A_36 = vector.load %arg9[%get3A_34, %get3A_35] : memref<128x64xf32, #tpu.memory_space<vmem>>, vector<128x64xf32>
    %dot_general3A_37 = arith.constant dense<0.000000e+00> : vector<512x64xf32>
    %dot_general3A_38 = tpu.matmul %max3A_33, %get3A_36, %dot_general3A_37 {dimension_numbers = #tpu.dot_dimension_numbers<[1], [0], [0], [1], [0, 0, 1, 1], [], []>, transpose_lhs_hint = false} : vector<512x128xf32>, vector<128x64xf32>, vector<512x64xf32> -> vector<512x64xf32>
    %get3A_39 = arith.constant 0 : index
    %get3A_40 = arith.constant 0 : index
    %get3A_41 = vector.load %arg10[%get3A_39, %get3A_40] : memref<1x64xf32, #tpu.memory_space<vmem>>, vector<1x64xf32>
    %add3A_42 = vector.broadcast %get3A_41 : vector<1x64xf32> to vector<512x64xf32>
    %add3A_43 = arith.addf %dot_general3A_38, %add3A_42 : vector<512x64xf32>
    %max3A_44 = arith.constant 0.000000e+00 : f32
    %max3A_45 = vector.broadcast %max3A_44 : f32 to vector<512x64xf32>
    %max3A_46 = arith.maximumf %add3A_43, %max3A_45 : vector<512x64xf32>
    %get3A_47 = arith.constant 0 : index
    %get3A_48 = arith.constant 0 : index
    %get3A_49 = vector.load %arg11[%get3A_47, %get3A_48] : memref<64x1xf32, #tpu.memory_space<vmem>>, vector<64x1xf32>
    %dot_general3A_50 = arith.constant dense<0.000000e+00> : vector<512x1xf32>
    %dot_general3A_51 = tpu.matmul %max3A_46, %get3A_49, %dot_general3A_50 {dimension_numbers = #tpu.dot_dimension_numbers<[1], [0], [0], [1], [0, 0, 1, 1], [], []>, transpose_lhs_hint = false} : vector<512x64xf32>, vector<64x1xf32>, vector<512x1xf32> -> vector<512x1xf32>
    %get3A_52 = arith.constant 0 : index
    %get3A_53 = arith.constant 0 : index
    %get3A_54 = vector.load %arg12[%get3A_52, %get3A_53] : memref<1x1xf32, #tpu.memory_space<vmem>>, vector<1x1xf32>
    %add3A_55 = vector.broadcast %get3A_54 : vector<1x1xf32> to vector<512x1xf32>
    %add3A_56 = arith.addf %dot_general3A_51, %add3A_55 : vector<512x1xf32>
    %get3A_57 = arith.constant 0 : index
    %get3A_58 = arith.constant 0 : index
    %get3A_59 = vector.load %arg3[%get3A_57, %get3A_58] : memref<512x1xf32, #tpu.memory_space<vmem>>, vector<512x1xf32>
    %add3A_60 = arith.addf %add3A_56, %get3A_59 : vector<512x1xf32>
    %swap3A = arith.constant 0 : index
    %swap3A_61 = arith.constant 0 : index
    %swap3A_62 = vector.load %arg13[%swap3A, %swap3A_61] : memref<512x1xf32, #tpu.memory_space<vmem>>, vector<512x1xf32>
    tpu.vector_store %arg13[%swap3A, %swap3A_61], %add3A_60 {strides = array<i32>} : memref<512x1xf32, #tpu.memory_space<vmem>>, vector<512x1xf32>,
    return
  }
  func.func @transform_0(%arg0: i32) -> (i32, i32) {
    %c0_i32 = arith.constant 0 : i32
    %c0_i32_0 = arith.constant 0 : i32
    return %arg0, %c0_i32 : i32, i32
  }
  func.func @transform_1(%arg0: i32) -> (i32, i32) {
    %c0_i32 = arith.constant 0 : i32
    %c0_i32_0 = arith.constant 0 : i32
    return %arg0, %c0_i32 : i32, i32
  }
  func.func @transform_2(%arg0: i32) -> (i32, i32) {
    %c0_i32 = arith.constant 0 : i32
    %c0_i32_0 = arith.constant 0 : i32
    return %arg0, %c0_i32 : i32, i32
  }
  func.func @transform_3(%arg0: i32) -> (i32, i32) {
    %c0_i32 = arith.constant 0 : i32
    %c0_i32_0 = arith.constant 0 : i32
    %c0_i32_1 = arith.constant 0 : i32
    return %c0_i32, %c0_i32_0 : i32, i32
  }
  func.func @transform_4(%arg0: i32) -> (i32, i32) {
    %c0_i32 = arith.constant 0 : i32
    %c0_i32_0 = arith.constant 0 : i32
    %c0_i32_1 = arith.constant 0 : i32
    return %c0_i32, %c0_i32_0 : i32, i32
  }
  func.func @transform_5(%arg0: i32) -> (i32, i32) {
    %c0_i32 = arith.constant 0 : i32
    %c0_i32_0 = arith.constant 0 : i32
    %c0_i32_1 = arith.constant 0 : i32
    return %c0_i32, %c0_i32_0 : i32, i32
  }
  func.func @transform_6(%arg0: i32) -> (i32, i32) {
    %c0_i32 = arith.constant 0 : i32
    %c0_i32_0 = arith.constant 0 : i32
    %c0_i32_1 = arith.constant 0 : i32
    return %c0_i32, %c0_i32_0 : i32, i32
  }
  func.func @transform_7(%arg0: i32) -> (i32, i32) {
    %c0_i32 = arith.constant 0 : i32
    %c0_i32_0 = arith.constant 0 : i32
    %c0_i32_1 = arith.constant 0 : i32
    return %c0_i32, %c0_i32_0 : i32, i32
  }
  func.func @transform_8(%arg0: i32) -> (i32, i32) {
    %c0_i32 = arith.constant 0 : i32
    %c0_i32_0 = arith.constant 0 : i32
    %c0_i32_1 = arith.constant 0 : i32
    return %c0_i32, %c0_i32_0 : i32, i32
  }
  func.func @transform_9(%arg0: i32) -> (i32, i32) {
    %c0_i32 = arith.constant 0 : i32
    %c0_i32_0 = arith.constant 0 : i32
    %c0_i32_1 = arith.constant 0 : i32
    return %c0_i32, %c0_i32_0 : i32, i32
  }
  func.func @transform_10(%arg0: i32) -> (i32, i32) {
    %c0_i32 = arith.constant 0 : i32
    %c0_i32_0 = arith.constant 0 : i32
    %c0_i32_1 = arith.constant 0 : i32
    return %c0_i32, %c0_i32_0 : i32, i32
  }
  func.func @transform_11(%arg0: i32) -> (i32, i32) {
    %c0_i32 = arith.constant 0 : i32
    %c0_i32_0 = arith.constant 0 : i32
    %c0_i32_1 = arith.constant 0 : i32
    return %c0_i32, %c0_i32_0 : i32, i32
  }
  func.func @transform_12(%arg0: i32) -> (i32, i32) {
    %c0_i32 = arith.constant 0 : i32
    %c0_i32_0 = arith.constant 0 : i32
    return %arg0, %c0_i32 : i32, i32
  }
}

</mosaic_0001>

<sc_bundles>
// kernel: kernel.5.cloned.1.call-start
scs
__scs_entry_jumppad:
0x0: {  	(pc) =	sbr.rel $0x88, $3  }
0x1: {  	(tag) =	ssettag $0x0;
	lr =	simm.s32 $0x1  }
0x2: {  	[smem:$0x3F94] =	sst lr;
	_ =	strace $0xD0000000  }
0x3: {  	_ = 	snop  }
0x4: {  	_ = 	snop  }
0x5: {  	_ = 	snop  }
0x6: {  	_ = 	snop  }
0x7: {  	_ = 	snop  }
__scs_overlays_trampoline_lowered:
0x8: {  	[smem:$0x3FA3] =	sst s0  }
0x9: {  	[smem:$0x3FA4] =	sst s1  }
0xa: {  	[smem:$0x3FA5] =	sst s2  }
0xb: {  	[smem:$0x3FA6] =	sst s3  }
0xc: {  	[smem:$0x3FA7] =	sst s4  }
0xd: {  	[smem:$0x3FA8] =	sst s5  }
0xe: {  	[smem:$0x3FA9] =	sst s6  }
0xf: {  	[smem:$0x3FAA] =	sst s7  }
0x10: {  	[smem:$0x3FAB] =	sst s8  }
0x11: {  	[smem:$0x3FAC] =	sst s9;
	s0 =	simm.s32 @!p0 $0x0  }
0x12: {  	s1 =	sld [smem:$0x3F92];
	s0 =	simm.s32 @p0 $0x1  }
0x13: {  	[smem:$0x3FAD] =	sst s0;
	s0 =	simm.s32 @!p1 $0x0  }
0x14: {  	s2 =	sld [smem:$0x3F91];
	s0 =	simm.s32 @p1 $0x1  }
0x15: {  	[smem:$0x3FAE] =	sst s0;
	s0 =	simm.s32 @!p2 $0x0  }
0x16: {  	s3 =	sld [smem:$0x3FDB];
	s0 =	simm.s32 @p2 $0x1  }
0x17: {  	s4 =	simm.s32 $0x1BF5;
	[smem:$0x3FB0] =	sst s0  }
0x18: {  	s0 =	sld [smem:$0x3F93];
	_ =	swait.ge [sflag:s4], $0x0  }
0x19: {  	s7 =	sld [smem:$0x3F94]  }
0x1a: {  	s8 =	sadd.s32 $0xFFFFE003, lr  }
0x1b: {  	s9 =	sadd.s32 $0xFFFFFEF7, lr;
	s5 =	simm.s32 $0xFFFFFFFF;
	p2 =	slt.u32 s8, $0xFFFFF086  }
0x1c: {  	p1 =	slt.u32 s9, $0xF7A;
	s5 =	simm.s32 @!p2 $0x0  }
0x1d: {  	s5 =	simm.s32 @p1 $0x1;
	p0 =	seq.s32 s7, s2  }
0x1e: {  	s7 =	smul.u32 @!p0 $0xF7A, s2;
	p2 =	seq.s32 @!p0 s5, $0x0  }
0x1f: {  	s9 =	smul.u32 $0xF7A, s1;
	s8 =	simm.s32 @!p0 $0x1BF5;
	p2 =	por !p2, p0  }
0x20: {  	[sflag:s8] =	ssyncset.s32 @!p0 $0xFFFFF086;
	s6 =	sadd.s32 @!p0 s3, s7;
	s7 =	simm.s32 @!p0 $0x108  }
0x21: {  	s3 =	sadd.s32 s3, s9;
	s6 =	sadd.s32 @!p0 $0x88, s6;
	s7 =	simm.s32 @p2 $0x1082  }
0x22: {  	[simem:s7], [sflag:s8] =	dma.local @!p0 [hbm:s6], $0xF7A  }
0x23: {  	s9 =	sor.u32 $0xD0000000, s2;
	s6 =	simm.s32 $0x108;
	_ =	swait.ge @!p0 [sflag:s8], $0x0  }
0x24: {  	s3 =	sadd.s32 $0x88, s3;
	s6 =	simm.s32 @!p1 $0x1082;
	[sflag:s4] =	ssyncset.s32 $0xFFFFF086  }
0x25: {  	[simem:s6], [sflag:s4] =	dma.local [hbm:s3], $0xF7A  }
0x26: {  	[smem:$0x3F94] =	sst s1;
	(tag) =	ssettag s2;
	_ =	strace s9  }
0x27: {  	s1 =	sld [smem:$0x3FA4]  }
0x28: {  	s2 =	sld [smem:$0x3FA5]  }
0x29: {  	s4 =	sld [smem:$0x3FA7]  }
0x2a: {  	p0 =	seq.s32 s5, $0x0;
	s5 =	sld [smem:$0x3FA8]  }
0x2b: {  	s6 =	sld [smem:$0x3FA9]  }
0x2c: {  	s7 =	sld [smem:$0x3FAA]  }
0x2d: {  	s3 =	simm.s32 $0x108;
	s8 =	sld [smem:$0x3FAB]  }
0x2e: {  	s3 =	simm.s32 @!p0 $0x1082;
	s9 =	sld [smem:$0x3FAC]  }
0x2f: {  	lr =	sadd.s32 s0, s3;
	s0 =	sld [smem:$0x3FA3]  }
0x30: {  	s3 =	sld [smem:$0x3FA6]  }
0x31: {  	[smem:$0x3FAF] =	sst s10  }
0x32: {  	s10 =	sld [smem:$0x3FAD];
	_ =	sdelay $0x3  }
0x33: {  	p0 =	seq.s32 s10, $0x1;
	s10 =	sld [smem:$0x3FAF];
	_ =	sdelay $0x3  }
0x34: {  	[smem:$0x3FAF] =	sst s10  }
0x35: {  	s10 =	sld [smem:$0x3FAE];
	_ =	sdelay $0x3  }
0x36: {  	p1 =	seq.s32 s10, $0x1;
	s10 =	sld [smem:$0x3FAF];
	_ =	sdelay $0x3  }
0x37: {  	[smem:$0x3FAF] =	sst s10  }
0x38: {  	s10 =	sld [smem:$0x3FB0]  }
0x39: {  	_ = 	snop;
	(pc) =	sbr.ind lr, $3  }
0x3a: {  	_ = 	snop  }
0x3b: {  	_ = 	snop  }
0x3c: {  	p2 =	seq.s32 s10, $0x1;
	s10 =	sld [smem:$0x3FAF]  }
0x3d: {  	_ =	shalt  }
0x3e: {  	_ =	shalt  }
0x3f: {  	_ =	shalt  }
0x40: {  	_ =	shalt  }
0x41: {  	_ =	shalt  }
0x42: {  	_ =	shalt  }
0x43: {  	_ =	shalt  }
0x44: {  	_ =	shalt  }
0x45: {  	_ =	shalt  }
0x46: {  	_ =	shalt  }
0x47: {  	_ =	shalt  }
0x48: {  	_ =	shalt  }
0x49: {  	_ =	shalt  }
0x4a: {  	_ =	shalt  }
0x4b: {  	_ =	shalt  }
0x4c: {  	_ =	shalt  }
0x4d: {  	_ =	shalt  }
0x4e: {  	_ =	shalt  }
0x4f: {  	_ =	shalt  }
0x50: {  	_ =	shalt  }
0x51: {  	_ =	shalt  }
0x52: {  	_ =	shalt  }
0x53: {  	_ =	shalt  }
0x54: {  	_ =	shalt  }
0x55: {  	_ =	shalt  }
0x56: {  	_ =	shalt  }
0x57: {  	_ =	shalt  }
0x58: {  	_ =	shalt  }
0x59: {  	_ =	shalt  }
0x5a: {  	_ =	shalt  }
0x5b: {  	_ =	shalt  }
0x5c: {  	_ =	shalt  }
0x5d: {  	_ =	shalt  }
0x5e: {  	_ =	shalt  }
0x5f: {  	_ =	shalt  }
0x60: {  	_ =	shalt  }
0x61: {  	_ =	shalt  }
0x62: {  	_ =	shalt  }
0x63: {  	_ =	shalt  }
0x64: {  	_ =	shalt  }
0x65: {  	_ =	shalt  }
0x66: {  	_ =	shalt  }
0x67: {  	_ =	shalt  }
0x68: {  	_ =	shalt  }
0x69: {  	_ =	shalt  }
0x6a: {  	_ =	shalt  }
0x6b: {  	_ =	shalt  }
0x6c: {  	_ =	shalt  }
0x6d: {  	_ =	shalt  }
0x6e: {  	_ =	shalt  }
0x6f: {  	_ =	shalt  }
0x70: {  	_ =	shalt  }
0x71: {  	_ =	shalt  }
0x72: {  	_ =	shalt  }
0x73: {  	_ =	shalt  }
0x74: {  	_ =	shalt  }
0x75: {  	_ =	shalt  }
0x76: {  	_ =	shalt  }
0x77: {  	_ =	shalt  }
0x78: {  	_ =	shalt  }
0x79: {  	_ =	shalt  }
0x7a: {  	_ =	shalt  }
0x7b: {  	_ =	shalt  }
0x7c: {  	_ =	shalt  }
0x7d: {  	_ =	shalt  }
0x7e: {  	_ =	shalt  }
0x7f: {  	_ =	shalt  }
0x80: {  	_ =	shalt  }
0x81: {  	_ =	shalt  }
0x82: {  	_ =	shalt  }
0x83: {  	_ =	shalt  }
0x84: {  	_ =	shalt  }
0x85: {  	_ =	shalt  }
0x86: {  	_ =	shalt  }
0x87: {  	_ =	shalt  }
.Lfunc_end0:
.L_simem_size_0:
called_computation_lowered:
.L_overlay_start_0:
0x88: {  	s2 =	sld [smem:$0x3FD9]  }
0x89: {  	s3 =	sld [smem:$0x3FFE];
	_ =	sdelay $0x1  }
0x8a: {  	s1 =	srdreg.scid  }
0x8b: {  	s0 =	sand.u32 $0x1, s1  }
0x8c: {  	s17 =	sshll.u32 s0, $0xA;
	s2 =	sadd.s32 s3, s2  }
0x8d: {  	s2 =	sadd.s32 s2, s17  }
0x8e: {  	[smem:$0x3FBB] =	sst s2  }
0x8f: {  	_ = 	snop  }
0x90: {  	s18 =	sld [smem:$0x3FD0];
	(tm) =	ssettm $0x1  }
0x91: {  	s19 =	sld [smem:$0x3FFB];
	_ =	sdelay $0x3  }
0x92: {  	_ =	strace s19  }
0x93: {  	s2 =	sld [smem:$0x3FFC];
	_ =	sdelay $0x3  }
0x94: {  	_ =	strace s2  }
0x95: {  	s2 =	sld [smem:$0x3FFD];
	_ =	sdelay $0x3  }
0x96: {  	_ =	strace s2  }
0x97: {  	_ =	strace $0x8FFFFFFF  }
0x98: {  	s20 =	sld [smem:$0x3FDB];
	_ =	sdelay $0x1  }
0x99: {  	s4 =	simm.s32 $_scs_section_size  }
0x9a: {  	s5 =	simm.s32 $_size__tile_overlayer_lowered;
	s6 =	simm.s32 $_tile_overlayer_lowered  }
0x9b: {  	s7 =	simm.s32 $0x1BFF;
	s21 =	sshll.u32 s6, $0x1;
	s4 =	sadd.s32 s4, s20  }
0x9c: {  	s22 =	simm.s32 $0x0;
	s5 =	sshll.u32 s5, $0x1;
	s6 =	sadd.s32 s21, s4  }
0x9d: {  	[timem:s22], [sflag:s7] =	dma.local [hbm:s6], s5  }
0x9e: {  	_ =	swait.ge [sflag:s7], s5  }
0x9f: {  	s5 =	ssub.s32 $0x0, s5;
	[sflag:s7] =	ssyncset.done $0x0  }
0xa0: {  	[sflag:s7] =	ssyncadd.s32 s5;
	_ =	sdelay $0x1  }
0xa1: {  	s23 =	simm.s32 $0x1B8B  }
0xa2: {  	_ =	swait.ge [sflag:s23], $0x1  }
0xa3: {  	[sflag:s23] =	ssyncset.done $0x0  }
0xa4: {  	[sflag:s23] =	ssyncadd.s32 $0xFFFFFFFF  }
0xa5: {  	s5 =	sld [smem:$0x0]  }
0xa6: {  	s6 =	sand.u32 $0xFFFFFFFE, s1  }
0xa7: {  	p0 =	sne.s32 s1, s6  }
0xa8: {  	s6 =	sshll.u32 @p0 s6, $0xE  }
0xa9: {  	s6 =	sadd.s32 @p0 $0x11B8D, s6;
	s7 =	sshll.u32 @p0 s5, $0x11  }
0xaa: {  	s6 =	sor.u32 @p0 s7, s6  }
0xab: {  	[sflag:s6] =	ssyncadd.remote.s32 @p0 $0x1;
	_ =	sdelay $0x1  }
0xac: {  	s6 =	simm.s32 @p0 $0x1B8D  }
0xad: {  	_ =	swait.eq @p0 [sflag:s6], $0x1  }
0xae: {  	[sflag:s6] =	ssyncadd.s32 @p0 $0xFFFFFFFF  }
0xaf: {  	s7 =	sshll.u32 @!p0 s1, $0xE  }
0xb0: {  	s7 =	sor.u32 @!p0 $0x4000, s7;
	s6 =	simm.s32 @!p0 $0x1B8D  }
0xb1: {  	s5 =	sshll.u32 @!p0 s5, $0x11;
	s7 =	sadd.s32 @!p0 $0x11B8D, s7;
	_ =	swait.eq @!p0 [sflag:s6], $0x1  }
0xb2: {  	s5 =	sor.u32 @!p0 s5, s7;
	[sflag:s6] =	ssyncadd.s32 @!p0 $0xFFFFFFFF  }
0xb3: {  	s25 =	simm.s32 $0x1B8E;
	s24 =	sld [smem:$0x3FFE];
	[sflag:s5] =	ssyncadd.remote.s32 @!p0 $0x1  }
0xb4: {  	s26 =	simm.s32 $execute0_lowered;
	[smem:$0x3FD2] =	sst s25  }
0xb5: {  	s6 =	sshll.u32 s26, $0x1;
	_ =	strace $0x80000049;
	[dreg:$0x1] =	wrdreg $0xFFFFFFFF  }
0xb6: {  	s28 =	simm.s32 $_size_execute0_lowered;
	s4 =	sadd.s32 s4, s6;
	[dreg:$0x0] =	wrdreg $0x0  }
0xb7: {  	s6 =	sshll.u32 s28, $0x1;
	[dreg:$0x2] =	wrdreg s4  }
0xb8: {  	[dreg:$0x3] =	wrdreg s6  }
0xb9: {  	[dreg:$0x4] =	wrdreg $0xC0  }
0xba: {  	_ =	task [dreg:s22], $0x5FFFF  }
0xbb: {  	[dreg:$0x1] =	wrdreg $0xFFFFFFFF  }
0xbc: {  	[dreg:$0x0] =	wrdreg $0x60  }
0xbd: {  	[dreg:$0x2] =	wrdreg s24  }
0xbe: {  	[dreg:$0x3] =	wrdreg s18  }
0xbf: {  	[dreg:$0x4] =	wrdreg $0x9  }
0xc0: {  	_ =	task.clear_ibuf [dreg:s22], $0x5FFFF;
	_ =	strace $0x90000049  }
0xc1: {  	s29 =	simm.s32 $0x9;
	_ =	strace $0x8000004B  }
0xc2: {  	_ =	swait.ge [sflag:s29], $0x1  }
0xc3: {  	[sflag:s29] =	ssyncadd.s32 $0xFFFFFFFF  }
0xc4: {  	_ =	strace $0x9000004B  }
0xc5: {  	_ =	sfence  }
0xc6: {  	s30 =	sld [smem:$0x0];
	_ =	sdelay $0x2  }
0xc7: {  	s31 =	sshll.u32 s1, $0xD;
	s1 =	sshrl.u32 s1, $0x2  }
0xc8: {  	s4 =	sand.u32 $0x4000, s31;
	s1 =	sadd.s32 s1, s30  }
0xc9: {  	s0 =	sor.u32 s4, s0;
	s1 =	sshll.u32 s1, $0x11  }
0xca: {  	s0 =	sor.u32 s1, s0  }
0xcb: {  	s0 =	sadd.s32 $0x8F2B, s0  }
0xcc: {  	[sflag:s0] =	ssyncadd.remote.s32 $0x1  }
0xcd: {  	_ =	sfence.sel $0xFFFF  }
0xce: {  	[dreg:$0x0] =	wrdreg $0xFFFFFFFF;
	(pc) =	sbr.abs _section_cstart, $3  }
0xcf: {  	[dreg:$0x1] =	wrdreg $0xFFFFFFFF  }
0xd0: {  	_ =	task.clear_ibuf [dreg:s22], $0x2FFFF;
	_ =	strace $0x9FFFFFFF  }
0xd1: {  	(tm) =	ssettm $0x7FFFFFFF  }
tec
execute0_lowered:
.L_overlay_start_1:
0x0: {  	(tag) =	ssettag $0x1  }
0x1: {  	s4 =	rddreg [dreg:$0x0]  }
0x2: {  	s6 =	rddreg [dreg:$0x1]  }
0x3: {  	s0 =	rddreg [dreg:$0x2];
	s2 =	simm.s32 $0x0;
	s3 =	srdreg.scid  }
0x4: {  	s1 =	stileid.u32;
	s10 =	simm.s32 $0x1380;
	s11 =	simm.s32 $0x1  }
0x5: {  	s12 =	simm.s32 $0x7B80;
	s13 =	simm.s32 $0x0;
	[smem:$0x7FF] =	sst s2  }
0x6: {  	s5 =	sand.u32 $0x1, s3;
	s8 =	sshll.u32 s1, $0x1;
	s3 =	sadd.s32 $0x1AEC00, s4  }
0x7: {  	s4 =	sadd.s32 $0x1BBC00, s4;
	s7 =	ssub.s32 $0x2, s5;
	s5 =	sor.u32 s5, s8  }
0x8: {  	v0 =	vlaneseq.u32;
	_ =	strace $0x8000004A;
	s9 =	sshrl.u32 s7, $0x1;
	s8 =	sshll.u32 s5, $0x6  }
0x9: {  	v0 =	vmul.u32 $0x10, v0;
	s5 =	smul.u32 $0x3400, s5;
	s7 =	ssub.s32 s7, s9;
	s6 =	sadd.s32 s6, s8  }
0xa: {  	s8 =	simm.s32 $0x2;
	s9 =	simm.s32 $0x680;
	s7 =	smax.u32 s7, $0x1  }
.LBB2_1:
0xb: {  	s14 =	simm.s32 $0x0  }
.LBB2_2:
0xc: {  	s15 =	smul.u32 $0x680, s14;
	_ =	sdelay $0x1  }
0xd: {  	s15 =	sadd.s32 s5, s15  }
0xe: {  	s15 =	sshrl.u32 s15, $0x3  }
0xf: {  	s16 =	simm.s32 $0x0;
	s15 =	sadd.s32 s3, s15  }
0x10: {  	[tilespmem:s16], [sflag:$0x2] =	stream.linear.gather [hbm4b:s15+s16], $0x680, $0x38;
	[tilespmem:$0x7BC0] =	vst v63  }
0x11: {  	_ =	swait.ge [sflag:s8], $0x680  }
0x12: {  	[sflag:s8] =	ssyncset.done $0x0  }
0x13: {  	s15 =	simm.s32 $0x0;
	[sflag:s8] =	ssyncadd.s32 $0xFFFFF980  }
0x14: {  	v1 =	vld [tilespmem:s15+$0x0]  }
0x15: {  	s16 =	simm.s32 $0x40  }
.LBB2_3:
0x16: {  	p0 =	sne.s32 s16, $0x19C0  }
.Ltmp0:
0x17: {  	_ = 	snop;
	(pc) =	sbr.rel @p0 .LBB2_3-.Ltmp0, $4  }
0x18: {  	_ = 	snop  }
0x19: {  	s17 =	sshra.s32 s16, $0x2;
	s16 =	sadd.s32 $0x40, s16;
	v2 =	vshrl.u32 v1, $0x4;
	v3 =	vand.u32 $0xF, v1  }
0x1a: {  	v1 =	vld [tilespmem:s17+$0x0];
	[tilespmem:s15+$0xD00] =	vst v3  }
0x1b: {  	[tilespmem:s15+$0x680] =	vst v2;
	s15 =	smov.u32 s17  }
0x1c: {  	_ =	sdelay $0x2  }
0x1d: {  	v2 =	vand.u32 $0xF, v1  }
0x1e: {  	v1 =	vshrl.u32 v1, $0x4;
	[tilespmem:s15+$0xD00] =	vst v2  }
0x1f: {  	[tilespmem:s15+$0x680] =	vst v1  }
0x20: {  	[tilespmem:s10], [sflag:$0x1] =	stream.indirect.gather [hbm4b:s4+s9], $0x10, s9, s9, $0xb8;
	[tilespmem:$0x7BC0] =	vst v63  }
0x21: {  	_ =	swait.ge [sflag:s11], $0x6800  }
0x22: {  	[sflag:s11] =	ssyncset.done $0x0  }
0x23: {  	s26 =	simm.s32 $0xD00;
	[sflag:s11] =	ssyncadd.s32 $0xFFFF9800  }
0x24: {  	v1 =	vld [tilespmem:s26+$0x0];
	_ =	sdelay $0x1  }
0x25: {  	s28 =	simm.s32 $0x0  }
0x26: {  	v2 =	vmov s28  }
0x27: {  	s29 =	simm.s32 $0xD40;
	v2 =	vshll.u32 v2, $0x4  }
0x28: {  	v2 =	vor.u32 v0, v2;
	v3 =	vld [tilespmem:s29+$0x0];
	v4 =	vand.u32 $0xFFFFFFF8, v1  }
0x29: {  	v1 =	vand.u32 $0x7, v1;
	v2 =	vadd.s32 v2, v4  }
0x2a: {  	s30 =	simm.s32 $0x40;
	v2 =	vor.u32 v1, v2  }
0x2b: {  	v1 =	vmov s30  }
0x2c: {  	v1 =	vshll.u32 v1, $0x4  }
0x2d: {  	s16 =	simm.s32 $0xD80;
	v5 =	vand.u32 $0xFFFFFFF8, v3;
	v1 =	vor.u32 v0, v1  }
0x2e: {  	v3 =	vand.u32 $0x7, v3;
	v4 =	vld [tilespmem:s16+$0x0];
	v5 =	vadd.s32 v1, v5  }
0x2f: {  	v3 =	vor.u32 v3, v5;
	v2 =	vld.idx.msk [tilespmem:v2+s10+$0x0], $0xffff  }
0x30: {  	s31 =	simm.s32 $0x80  }
0x31: {  	v6 =	vmov s31  }
0x32: {  	s15 =	simm.s32 $0xC0;
	s16 =	simm.s32 $0xDC0;
	v1 =	vimm.f32 $0.0e+00;
	v5 =	vshll.u32 v6, $0x4  }
.LBB2_5:
0x33: {  	v6 =	vld [tilespmem:s16+$0x0];
	v7 =	vand.u32 $0xFFFFFFF8, v4;
	v5 =	vor.u32 v0, v5;
	s17 =	smov.u32 s15;
	p0 =	sne.s32 s15, $0x640  }
.Ltmp1:
0x34: {  	s15 =	sadd.s32 $0x40, s15;
	v4 =	vand.u32 $0x7, v4;
	v1 =	vadd.f32 v2, v1;
	v5 =	vadd.s32 v5, v7;
	v2 =	vld.idx.msk [tilespmem:v3+s10+$0x0], $0xffff;
	(pc) =	sbr.rel @p0 .LBB2_5-.Ltmp1, $3  }
0x35: {  	v3 =	vor.u32 v4, v5;
	_ =	sdelay $0x1  }
0x36: {  	v7 =	vmov s17  }
0x37: {  	s16 =	sadd.s32 $0x40, s16;
	v5 =	vshll.u32 v7, $0x4;
	v4 =	vmov v6  }
0x38: {  	v6 =	vand.u32 $0xFFFFFFF8, v4;
	v5 =	vor.u32 v0, v5  }
0x39: {  	v4 =	vand.u32 $0x7, v4;
	v5 =	vadd.s32 v5, v6  }
0x3a: {  	v4 =	vor.u32 v4, v5;
	_ =	sdelay $0x2  }
0x3b: {  	v3 =	vld.idx.msk [tilespmem:v3+s10+$0x0], $0xffff;
	_ =	sdelay $0x1  }
0x3c: {  	v4 =	vld.idx.msk [tilespmem:v4+s10+$0x0], $0xffff  }
0x3d: {  	v1 =	vadd.f32 v2, v1;
	_ =	sdelay $0x1  }
0x3e: {  	v1 =	vadd.f32 v3, v1;
	_ =	sdelay $0x1  }
0x3f: {  	v1 =	vadd.f32 v4, v1;
	_ =	sdelay $0x1  }
0x40: {  	s15 =	simm.s32 $0xD10;
	[tilespmem:$0x7B80] =	vst v1  }
0x41: {  	v1 =	vld [tilespmem:s15+$0x0];
	_ =	sdelay $0x1  }
0x42: {  	s28 =	simm.s32 $0x10  }
0x43: {  	v2 =	vmov s28  }
0x44: {  	s29 =	simm.s32 $0xD50;
	v2 =	vshll.u32 v2, $0x4  }
0x45: {  	v2 =	vor.u32 v0, v2;
	v3 =	vld [tilespmem:s29+$0x0];
	v4 =	vand.u32 $0xFFFFFFF8, v1  }
0x46: {  	v1 =	vand.u32 $0x7, v1;
	v2 =	vadd.s32 v2, v4  }
0x47: {  	s30 =	simm.s32 $0x50;
	v2 =	vor.u32 v1, v2  }
0x48: {  	v1 =	vmov s30  }
0x49: {  	v1 =	vshll.u32 v1, $0x4  }
0x4a: {  	s16 =	simm.s32 $0xD90;
	v5 =	vand.u32 $0xFFFFFFF8, v3;
	v1 =	vor.u32 v0, v1  }
0x4b: {  	v3 =	vand.u32 $0x7, v3;
	v4 =	vld [tilespmem:s16+$0x0];
	v5 =	vadd.s32 v1, v5  }
0x4c: {  	v3 =	vor.u32 v3, v5;
	v2 =	vld.idx.msk [tilespmem:v2+s10+$0x0], $0xffff  }
0x4d: {  	s31 =	simm.s32 $0x90  }
0x4e: {  	v6 =	vmov s31  }
0x4f: {  	s15 =	simm.s32 $0xD0;
	s16 =	simm.s32 $0xDD0;
	v1 =	vimm.f32 $0.0e+00;
	v5 =	vshll.u32 v6, $0x4  }
.LBB2_7:
0x50: {  	v6 =	vld [tilespmem:s16+$0x0];
	v7 =	vand.u32 $0xFFFFFFF8, v4;
	v5 =	vor.u32 v0, v5;
	s17 =	smov.u32 s15;
	p0 =	sne.s32 s15, $0x650  }
.Ltmp2:
0x51: {  	s15 =	sadd.s32 $0x40, s15;
	v4 =	vand.u32 $0x7, v4;
	v1 =	vadd.f32 v2, v1;
	v5 =	vadd.s32 v5, v7;
	v2 =	vld.idx.msk [tilespmem:v3+s10+$0x0], $0xffff;
	(pc) =	sbr.rel @p0 .LBB2_7-.Ltmp2, $3  }
0x52: {  	v3 =	vor.u32 v4, v5;
	_ =	sdelay $0x1  }
0x53: {  	v7 =	vmov s17  }
0x54: {  	s16 =	sadd.s32 $0x40, s16;
	v5 =	vshll.u32 v7, $0x4;
	v4 =	vmov v6  }
0x55: {  	v6 =	vand.u32 $0xFFFFFFF8, v4;
	v5 =	vor.u32 v0, v5  }
0x56: {  	v4 =	vand.u32 $0x7, v4;
	v5 =	vadd.s32 v5, v6  }
0x57: {  	v4 =	vor.u32 v4, v5;
	_ =	sdelay $0x2  }
0x58: {  	v3 =	vld.idx.msk [tilespmem:v3+s10+$0x0], $0xffff;
	_ =	sdelay $0x1  }
0x59: {  	v4 =	vld.idx.msk [tilespmem:v4+s10+$0x0], $0xffff  }
0x5a: {  	v1 =	vadd.f32 v2, v1;
	_ =	sdelay $0x1  }
0x5b: {  	v1 =	vadd.f32 v3, v1;
	_ =	sdelay $0x1  }
0x5c: {  	v1 =	vadd.f32 v4, v1;
	_ =	sdelay $0x1  }
0x5d: {  	s15 =	simm.s32 $0xD20;
	[tilespmem:$0x7B90] =	vst v1  }
0x5e: {  	v1 =	vld [tilespmem:s15+$0x0];
	_ =	sdelay $0x1  }
0x5f: {  	s28 =	simm.s32 $0x20  }
0x60: {  	v2 =	vmov s28  }
0x61: {  	s29 =	simm.s32 $0xD60;
	v2 =	vshll.u32 v2, $0x4  }
0x62: {  	v2 =	vor.u32 v0, v2;
	v3 =	vld [tilespmem:s29+$0x0];
	v4 =	vand.u32 $0xFFFFFFF8, v1  }
0x63: {  	v1 =	vand.u32 $0x7, v1;
	v2 =	vadd.s32 v2, v4  }
0x64: {  	s30 =	simm.s32 $0x60;
	v2 =	vor.u32 v1, v2  }
0x65: {  	v1 =	vmov s30  }
0x66: {  	v1 =	vshll.u32 v1, $0x4  }
0x67: {  	s16 =	simm.s32 $0xDA0;
	v5 =	vand.u32 $0xFFFFFFF8, v3;
	v1 =	vor.u32 v0, v1  }
0x68: {  	v3 =	vand.u32 $0x7, v3;
	v4 =	vld [tilespmem:s16+$0x0];
	v5 =	vadd.s32 v1, v5  }
0x69: {  	v3 =	vor.u32 v3, v5;
	v2 =	vld.idx.msk [tilespmem:v2+s10+$0x0], $0xffff  }
0x6a: {  	s31 =	simm.s32 $0xA0  }
0x6b: {  	v6 =	vmov s31  }
0x6c: {  	s15 =	simm.s32 $0xE0;
	s16 =	simm.s32 $0xDE0;
	v1 =	vimm.f32 $0.0e+00;
	v5 =	vshll.u32 v6, $0x4  }
.LBB2_9:
0x6d: {  	v6 =	vld [tilespmem:s16+$0x0];
	v7 =	vand.u32 $0xFFFFFFF8, v4;
	v5 =	vor.u32 v0, v5;
	s17 =	smov.u32 s15;
	p0 =	sne.s32 s15, $0x660  }
.Ltmp3:
0x6e: {  	s15 =	sadd.s32 $0x40, s15;
	v4 =	vand.u32 $0x7, v4;
	v1 =	vadd.f32 v2, v1;
	v5 =	vadd.s32 v5, v7;
	v2 =	vld.idx.msk [tilespmem:v3+s10+$0x0], $0xffff;
	(pc) =	sbr.rel @p0 .LBB2_9-.Ltmp3, $3  }
0x6f: {  	v3 =	vor.u32 v4, v5;
	_ =	sdelay $0x1  }
0x70: {  	v7 =	vmov s17  }
0x71: {  	s16 =	sadd.s32 $0x40, s16;
	v5 =	vshll.u32 v7, $0x4;
	v4 =	vmov v6  }
0x72: {  	v6 =	vand.u32 $0xFFFFFFF8, v4;
	v5 =	vor.u32 v0, v5  }
0x73: {  	v4 =	vand.u32 $0x7, v4;
	v5 =	vadd.s32 v5, v6  }
0x74: {  	v4 =	vor.u32 v4, v5;
	_ =	sdelay $0x2  }
0x75: {  	v3 =	vld.idx.msk [tilespmem:v3+s10+$0x0], $0xffff;
	_ =	sdelay $0x1  }
0x76: {  	v4 =	vld.idx.msk [tilespmem:v4+s10+$0x0], $0xffff  }
0x77: {  	v1 =	vadd.f32 v2, v1;
	_ =	sdelay $0x1  }
0x78: {  	v1 =	vadd.f32 v3, v1;
	_ =	sdelay $0x1  }
0x79: {  	v1 =	vadd.f32 v4, v1;
	_ =	sdelay $0x1  }
0x7a: {  	s15 =	simm.s32 $0xD30;
	[tilespmem:$0x7BA0] =	vst v1  }
0x7b: {  	v1 =	vld [tilespmem:s15+$0x0];
	_ =	sdelay $0x1  }
0x7c: {  	s28 =	simm.s32 $0x30  }
0x7d: {  	v2 =	vmov s28  }
0x7e: {  	s29 =	simm.s32 $0xD70;
	v2 =	vshll.u32 v2, $0x4  }
0x7f: {  	v2 =	vor.u32 v0, v2;
	v3 =	vld [tilespmem:s29+$0x0];
	v4 =	vand.u32 $0xFFFFFFF8, v1  }
0x80: {  	v1 =	vand.u32 $0x7, v1;
	v2 =	vadd.s32 v2, v4  }
0x81: {  	s30 =	simm.s32 $0x70;
	v2 =	vor.u32 v1, v2  }
0x82: {  	v1 =	vmov s30  }
0x83: {  	v1 =	vshll.u32 v1, $0x4  }
0x84: {  	s16 =	simm.s32 $0xDB0;
	v5 =	vand.u32 $0xFFFFFFF8, v3;
	v1 =	vor.u32 v0, v1  }
0x85: {  	v3 =	vand.u32 $0x7, v3;
	v4 =	vld [tilespmem:s16+$0x0];
	v5 =	vadd.s32 v1, v5  }
0x86: {  	v3 =	vor.u32 v3, v5;
	v2 =	vld.idx.msk [tilespmem:v2+s10+$0x0], $0xffff  }
0x87: {  	s31 =	simm.s32 $0xB0  }
0x88: {  	v6 =	vmov s31  }
0x89: {  	s15 =	simm.s32 $0xF0;
	s16 =	simm.s32 $0xDF0;
	v1 =	vimm.f32 $0.0e+00;
	v5 =	vshll.u32 v6, $0x4  }
.LBB2_11:
0x8a: {  	v6 =	vld [tilespmem:s16+$0x0];
	v7 =	vand.u32 $0xFFFFFFF8, v4;
	v5 =	vor.u32 v0, v5;
	s17 =	smov.u32 s15;
	p0 =	sne.s32 s15, $0x670  }
.Ltmp4:
0x8b: {  	s15 =	sadd.s32 $0x40, s15;
	v4 =	vand.u32 $0x7, v4;
	v1 =	vadd.f32 v2, v1;
	v5 =	vadd.s32 v5, v7;
	v2 =	vld.idx.msk [tilespmem:v3+s10+$0x0], $0xffff;
	(pc) =	sbr.rel @p0 .LBB2_11-.Ltmp4, $3  }
0x8c: {  	v3 =	vor.u32 v4, v5;
	_ =	sdelay $0x1  }
0x8d: {  	v7 =	vmov s17  }
0x8e: {  	s16 =	sadd.s32 $0x40, s16;
	v5 =	vshll.u32 v7, $0x4;
	v4 =	vmov v6  }
0x8f: {  	v6 =	vand.u32 $0xFFFFFFF8, v4;
	v5 =	vor.u32 v0, v5  }
0x90: {  	v63 =	vand.u32 $0x7, v4;
	v5 =	vadd.s32 v5, v6  }
0x91: {  	v4 =	vor.u32 v63, v5;
	_ =	sdelay $0x2  }
0x92: {  	v3 =	vld.idx.msk [tilespmem:v3+s10+$0x0], $0xffff;
	_ =	sdelay $0x1  }
0x93: {  	v4 =	vld.idx.msk [tilespmem:v4+s10+$0x0], $0xffff  }
0x94: {  	v1 =	vadd.f32 v2, v1;
	_ =	sdelay $0x1  }
0x95: {  	v1 =	vadd.f32 v3, v1;
	_ =	sdelay $0x1  }
0x96: {  	s15 =	sshll.u32 s14, $0x3;
	s14 =	sadd.s32 $0x1, s14;
	v1 =	vadd.f32 v4, v1  }
0x97: {  	p0 =	sne.s32 s14, $0x8  }
.Ltmp5:
0x98: {  	s15 =	sadd.s32 s15, s6;
	[tilespmem:$0x7BB0] =	vst v1;
	(pc) =	sbr.rel @p0 .LBB2_2-.Ltmp5, $4  }
0x99: {  	[hbm4b:s15+s2] =	stream.linear.scatter [tilespmem:s12], [sflag:$0x2], $0x40, $0x38;
	[tilespmem:$0x7BC0] =	vst v63  }
0x9a: {  	_ =	swait.ge [sflag:s8], $0x40  }
0x9b: {  	[sflag:s8] =	ssyncset.done $0x0  }
0x9c: {  	[sflag:s8] =	ssyncadd.s32 $0xFFFFFFC0  }
0x9d: {  	s13 =	sadd.s32 $0x1, s13  }
0x9e: {  	p0 =	sne.s32 s13, s7  }
.Ltmp6:
0x9f: {  	_ = 	snop;
	(pc) =	sbr.rel @p0 .LBB2_1-.Ltmp6, $1  }
0xa0: {  	_ =	sdelay $0x3  }
0xa1: {  	_ =	sfence.sel $0x180000  }
0xa2: {  	[bflag:$0x0] =	sbarrier.arrive $0xFFFF  }
0xa3: {  	p0 =	sne.s32 s1, $0x0;
	_ =	strace $0x9000004A  }
0xa4: {  	s0 =	sadd.s32 @!p0 $0x100000, s0;
	[bflag:$0x2] =	sbarrier.arrive $0xFFFF  }
0xa5: {  	[sflag:s0] =	ssyncadd.tile.s32 @!p0 $0x1;
	_ =	shalt  }
.Lfunc_end2:
_tile_overlayer_lowered:
.L_overlay_start_2:
0xa6: {  	(tag) =	ssettag $0x2  }
0xa7: {  	s0 =	rddreg [dreg:$0x0];
	s2 =	stileid.u32  }
0xa8: {  	s1 =	rddreg [dreg:$0x1];
	p0 =	sne.s32 s2, $0x0  }
0xa9: {  	s3 =	rddreg [dreg:$0x2];
	[bflag:$0x3] =	sbarrier.arrive $0xFFFF;
	s2 =	simm.s32 @!p0 $0x1C02  }
0xaa: {  	[timem:s3], [sflag:s2] =	dma.local @!p0 [hbm:s0], s1  }
0xab: {  	s0 =	simm.s32 @!p0 $0x2  }
0xac: {  	_ =	swait.ge @!p0 [sflag:s0], s1  }
0xad: {  	s1 =	ssub.s32 @!p0 $0x0, s1;
	[sflag:s0] =	ssyncset.done @!p0 $0x0  }
0xae: {  	[sflag:s0] =	ssyncadd.s32 @!p0 s1  }
0xaf: {  	[bflag:$0x3] =	sbarrier.arrive $0xFFFF  }
0xb0: {  	_ =	shalt  }

// kernel: kernel.8.cloned.1.call-start
scs
__scs_entry_jumppad:
0x0: {  	(pc) =	sbr.rel $0x88, $3  }
0x1: {  	(tag) =	ssettag $0x0;
	lr =	simm.s32 $0x1  }
0x2: {  	[smem:$0x3F94] =	sst lr;
	_ =	strace $0xD0000000  }
0x3: {  	_ = 	snop  }
0x4: {  	_ = 	snop  }
0x5: {  	_ = 	snop  }
0x6: {  	_ = 	snop  }
0x7: {  	_ = 	snop  }
__scs_overlays_trampoline_lowered:
0x8: {  	[smem:$0x3FA3] =	sst s0  }
0x9: {  	[smem:$0x3FA4] =	sst s1  }
0xa: {  	[smem:$0x3FA5] =	sst s2  }
0xb: {  	[smem:$0x3FA6] =	sst s3  }
0xc: {  	[smem:$0x3FA7] =	sst s4  }
0xd: {  	[smem:$0x3FA8] =	sst s5  }
0xe: {  	[smem:$0x3FA9] =	sst s6  }
0xf: {  	[smem:$0x3FAA] =	sst s7  }
0x10: {  	[smem:$0x3FAB] =	sst s8  }
0x11: {  	[smem:$0x3FAC] =	sst s9;
	s0 =	simm.s32 @!p0 $0x0  }
0x12: {  	s1 =	sld [smem:$0x3F92];
	s0 =	simm.s32 @p0 $0x1  }
0x13: {  	[smem:$0x3FAD] =	sst s0;
	s0 =	simm.s32 @!p1 $0x0  }
0x14: {  	s2 =	sld [smem:$0x3F91];
	s0 =	simm.s32 @p1 $0x1  }
0x15: {  	[smem:$0x3FAE] =	sst s0;
	s0 =	simm.s32 @!p2 $0x0  }
0x16: {  	s3 =	sld [smem:$0x3FDB];
	s0 =	simm.s32 @p2 $0x1  }
0x17: {  	s4 =	simm.s32 $0x1BF5;
	[smem:$0x3FB0] =	sst s0  }
0x18: {  	s0 =	sld [smem:$0x3F93];
	_ =	swait.ge [sflag:s4], $0x0  }
0x19: {  	s7 =	sld [smem:$0x3F94]  }
0x1a: {  	s8 =	sadd.s32 $0xFFFFE003, lr  }
0x1b: {  	s9 =	sadd.s32 $0xFFFFFEF7, lr;
	s5 =	simm.s32 $0xFFFFFFFF;
	p2 =	slt.u32 s8, $0xFFFFF086  }
0x1c: {  	p1 =	slt.u32 s9, $0xF7A;
	s5 =	simm.s32 @!p2 $0x0  }
0x1d: {  	s5 =	simm.s32 @p1 $0x1;
	p0 =	seq.s32 s7, s2  }
0x1e: {  	s7 =	smul.u32 @!p0 $0xF7A, s2;
	p2 =	seq.s32 @!p0 s5, $0x0  }
0x1f: {  	s9 =	smul.u32 $0xF7A, s1;
	s8 =	simm.s32 @!p0 $0x1BF5;
	p2 =	por !p2, p0  }
0x20: {  	[sflag:s8] =	ssyncset.s32 @!p0 $0xFFFFF086;
	s6 =	sadd.s32 @!p0 s3, s7;
	s7 =	simm.s32 @!p0 $0x108  }
0x21: {  	s3 =	sadd.s32 s3, s9;
	s6 =	sadd.s32 @!p0 $0x88, s6;
	s7 =	simm.s32 @p2 $0x1082  }
0x22: {  	[simem:s7], [sflag:s8] =	dma.local @!p0 [hbm:s6], $0xF7A  }
0x23: {  	s9 =	sor.u32 $0xD0000000, s2;
	s6 =	simm.s32 $0x108;
	_ =	swait.ge @!p0 [sflag:s8], $0x0  }
0x24: {  	s3 =	sadd.s32 $0x88, s3;
	s6 =	simm.s32 @!p1 $0x1082;
	[sflag:s4] =	ssyncset.s32 $0xFFFFF086  }
0x25: {  	[simem:s6], [sflag:s4] =	dma.local [hbm:s3], $0xF7A  }
0x26: {  	[smem:$0x3F94] =	sst s1;
	(tag) =	ssettag s2;
	_ =	strace s9  }
0x27: {  	s1 =	sld [smem:$0x3FA4]  }
0x28: {  	s2 =	sld [smem:$0x3FA5]  }
0x29: {  	s4 =	sld [smem:$0x3FA7]  }
0x2a: {  	p0 =	seq.s32 s5, $0x0;
	s5 =	sld [smem:$0x3FA8]  }
0x2b: {  	s6 =	sld [smem:$0x3FA9]  }
0x2c: {  	s7 =	sld [smem:$0x3FAA]  }
0x2d: {  	s3 =	simm.s32 $0x108;
	s8 =	sld [smem:$0x3FAB]  }
0x2e: {  	s3 =	simm.s32 @!p0 $0x1082;
	s9 =	sld [smem:$0x3FAC]  }
0x2f: {  	lr =	sadd.s32 s0, s3;
	s0 =	sld [smem:$0x3FA3]  }
0x30: {  	s3 =	sld [smem:$0x3FA6]  }
0x31: {  	[smem:$0x3FAF] =	sst s10  }
0x32: {  	s10 =	sld [smem:$0x3FAD];
	_ =	sdelay $0x3  }
0x33: {  	p0 =	seq.s32 s10, $0x1;
	s10 =	sld [smem:$0x3FAF];
	_ =	sdelay $0x3  }
0x34: {  	[smem:$0x3FAF] =	sst s10  }
0x35: {  	s10 =	sld [smem:$0x3FAE];
	_ =	sdelay $0x3  }
0x36: {  	p1 =	seq.s32 s10, $0x1;
	s10 =	sld [smem:$0x3FAF];
	_ =	sdelay $0x3  }
0x37: {  	[smem:$0x3FAF] =	sst s10  }
0x38: {  	s10 =	sld [smem:$0x3FB0]  }
0x39: {  	_ = 	snop;
	(pc) =	sbr.ind lr, $3  }
0x3a: {  	_ = 	snop  }
0x3b: {  	_ = 	snop  }
0x3c: {  	p2 =	seq.s32 s10, $0x1;
	s10 =	sld [smem:$0x3FAF]  }
0x3d: {  	_ =	shalt  }
0x3e: {  	_ =	shalt  }
0x3f: {  	_ =	shalt  }
0x40: {  	_ =	shalt  }
0x41: {  	_ =	shalt  }
0x42: {  	_ =	shalt  }
0x43: {  	_ =	shalt  }
0x44: {  	_ =	shalt  }
0x45: {  	_ =	shalt  }
0x46: {  	_ =	shalt  }
0x47: {  	_ =	shalt  }
0x48: {  	_ =	shalt  }
0x49: {  	_ =	shalt  }
0x4a: {  	_ =	shalt  }
0x4b: {  	_ =	shalt  }
0x4c: {  	_ =	shalt  }
0x4d: {  	_ =	shalt  }
0x4e: {  	_ =	shalt  }
0x4f: {  	_ =	shalt  }
0x50: {  	_ =	shalt  }
0x51: {  	_ =	shalt  }
0x52: {  	_ =	shalt  }
0x53: {  	_ =	shalt  }
0x54: {  	_ =	shalt  }
0x55: {  	_ =	shalt  }
0x56: {  	_ =	shalt  }
0x57: {  	_ =	shalt  }
0x58: {  	_ =	shalt  }
0x59: {  	_ =	shalt  }
0x5a: {  	_ =	shalt  }
0x5b: {  	_ =	shalt  }
0x5c: {  	_ =	shalt  }
0x5d: {  	_ =	shalt  }
0x5e: {  	_ =	shalt  }
0x5f: {  	_ =	shalt  }
0x60: {  	_ =	shalt  }
0x61: {  	_ =	shalt  }
0x62: {  	_ =	shalt  }
0x63: {  	_ =	shalt  }
0x64: {  	_ =	shalt  }
0x65: {  	_ =	shalt  }
0x66: {  	_ =	shalt  }
0x67: {  	_ =	shalt  }
0x68: {  	_ =	shalt  }
0x69: {  	_ =	shalt  }
0x6a: {  	_ =	shalt  }
0x6b: {  	_ =	shalt  }
0x6c: {  	_ =	shalt  }
0x6d: {  	_ =	shalt  }
0x6e: {  	_ =	shalt  }
0x6f: {  	_ =	shalt  }
0x70: {  	_ =	shalt  }
0x71: {  	_ =	shalt  }
0x72: {  	_ =	shalt  }
0x73: {  	_ =	shalt  }
0x74: {  	_ =	shalt  }
0x75: {  	_ =	shalt  }
0x76: {  	_ =	shalt  }
0x77: {  	_ =	shalt  }
0x78: {  	_ =	shalt  }
0x79: {  	_ =	shalt  }
0x7a: {  	_ =	shalt  }
0x7b: {  	_ =	shalt  }
0x7c: {  	_ =	shalt  }
0x7d: {  	_ =	shalt  }
0x7e: {  	_ =	shalt  }
0x7f: {  	_ =	shalt  }
0x80: {  	_ =	shalt  }
0x81: {  	_ =	shalt  }
0x82: {  	_ =	shalt  }
0x83: {  	_ =	shalt  }
0x84: {  	_ =	shalt  }
0x85: {  	_ =	shalt  }
0x86: {  	_ =	shalt  }
0x87: {  	_ =	shalt  }
.Lfunc_end0:
.L_simem_size_0:
called_computation.1_lowered:
.L_overlay_start_0:
0x88: {  	s2 =	sld [smem:$0x3FD9]  }
0x89: {  	s3 =	sld [smem:$0x3FFE];
	_ =	sdelay $0x1  }
0x8a: {  	s1 =	srdreg.scid  }
0x8b: {  	s0 =	sand.u32 $0x1, s1  }
0x8c: {  	s16 =	sshll.u32 s0, $0xA;
	s2 =	sadd.s32 s3, s2  }
0x8d: {  	s2 =	sadd.s32 s2, s16  }
0x8e: {  	[smem:$0x3FBB] =	sst s2  }
0x8f: {  	_ = 	snop  }
0x90: {  	(tm) =	ssettm $0x1  }
0x91: {  	s17 =	sld [smem:$0x3FFB];
	_ =	sdelay $0x3  }
0x92: {  	_ =	strace s17  }
0x93: {  	s2 =	sld [smem:$0x3FFC];
	_ =	sdelay $0x3  }
0x94: {  	_ =	strace s2  }
0x95: {  	s2 =	sld [smem:$0x3FFD];
	_ =	sdelay $0x3  }
0x96: {  	_ =	strace s2  }
0x97: {  	_ =	strace $0x8FFFFFFF  }
0x98: {  	s18 =	sld [smem:$0x3FDB];
	_ =	sdelay $0x1  }
0x99: {  	s19 =	simm.s32 $_scs_section_size  }
0x9a: {  	s4 =	simm.s32 $_size__tile_overlayer_lowered;
	s5 =	simm.s32 $_tile_overlayer_lowered  }
0x9b: {  	s22 =	simm.s32 $0x1BFF;
	s21 =	sshll.u32 s5, $0x1;
	s2 =	sadd.s32 s19, s18  }
0x9c: {  	s6 =	simm.s32 $0x0;
	s20 =	sshll.u32 s4, $0x1;
	s4 =	sadd.s32 s21, s2  }
0x9d: {  	[timem:s6], [sflag:s22] =	dma.local [hbm:s4], s20  }
0x9e: {  	_ =	swait.ge [sflag:s22], s20  }
0x9f: {  	s3 =	ssub.s32 $0x0, s20;
	[sflag:s22] =	ssyncset.done $0x0  }
0xa0: {  	[sflag:s22] =	ssyncadd.s32 s3;
	_ =	sdelay $0x1  }
0xa1: {  	s23 =	simm.s32 $0x1B8B  }
0xa2: {  	_ =	swait.ge [sflag:s23], $0x1  }
0xa3: {  	[sflag:s23] =	ssyncset.done $0x0  }
0xa4: {  	s25 =	simm.s32 $0x1B8E;
	s24 =	sld [smem:$0x3FFE];
	[sflag:s23] =	ssyncadd.s32 $0xFFFFFFFF  }
0xa5: {  	s26 =	simm.s32 $execute0_lowered;
	[smem:$0x3FD2] =	sst s25  }
0xa6: {  	s4 =	sshll.u32 s26, $0x1;
	_ =	strace $0x80000046;
	[dreg:$0x1] =	wrdreg $0xFFFFFFFF  }
0xa7: {  	s28 =	simm.s32 $_size_execute0_lowered;
	s2 =	sadd.s32 s2, s4;
	[dreg:$0x0] =	wrdreg $0x0  }
0xa8: {  	s4 =	sshll.u32 s28, $0x1;
	[dreg:$0x2] =	wrdreg s2  }
0xa9: {  	[dreg:$0x3] =	wrdreg s4  }
0xaa: {  	[dreg:$0x4] =	wrdreg $0xC0  }
0xab: {  	_ =	task [dreg:s6], $0x5FFFF  }
0xac: {  	[dreg:$0x1] =	wrdreg $0xFFFFFFFF  }
0xad: {  	[dreg:$0x0] =	wrdreg $0x60  }
0xae: {  	[dreg:$0x2] =	wrdreg s24  }
0xaf: {  	[dreg:$0x3] =	wrdreg $0xA  }
0xb0: {  	_ =	task.clear_ibuf [dreg:s6], $0x4FFFF;
	_ =	strace $0x90000046  }
0xb1: {  	s29 =	simm.s32 $0xA;
	_ =	strace $0x80000048  }
0xb2: {  	_ =	swait.ge [sflag:s29], $0x1  }
0xb3: {  	[sflag:s29] =	ssyncadd.s32 $0xFFFFFFFF  }
0xb4: {  	_ =	strace $0x90000048  }
0xb5: {  	_ =	sfence  }
0xb6: {  	s30 =	sld [smem:$0x0];
	_ =	sdelay $0x2  }
0xb7: {  	s31 =	sshll.u32 s1, $0xD;
	s1 =	sshrl.u32 s1, $0x2  }
0xb8: {  	s3 =	sand.u32 $0x4000, s31;
	s1 =	sadd.s32 s1, s30  }
0xb9: {  	s0 =	sor.u32 s3, s0;
	s1 =	sshll.u32 s1, $0x11  }
0xba: {  	s0 =	sor.u32 s1, s0  }
0xbb: {  	s0 =	sadd.s32 $0x8F2B, s0  }
0xbc: {  	[sflag:s0] =	ssyncadd.remote.s32 $0x1  }
0xbd: {  	_ =	sfence.sel $0xFFFF  }
0xbe: {  	[dreg:$0x0] =	wrdreg $0xFFFFFFFF;
	(pc) =	sbr.abs _section_cstart, $3  }
0xbf: {  	[dreg:$0x1] =	wrdreg $0xFFFFFFFF  }
0xc0: {  	_ =	task.clear_ibuf [dreg:s6], $0x2FFFF;
	_ =	strace $0x9FFFFFFF  }
0xc1: {  	(tm) =	ssettm $0x7FFFFFFF  }
tec
execute0_lowered:
.L_overlay_start_1:
0x0: {  	(tag) =	ssettag $0x1  }
0x1: {  	s1 =	srdreg.scid;
	s0 =	stileid.u32  }
0x2: {  	s25 =	sand.u32 $0x1, s1;
	s28 =	sshll.u32 s0, $0x1  }
0x3: {  	s10 =	sor.u32 s25, s28  }
0x4: {  	s11 =	rddreg [dreg:$0x0];
	s24 =	smul.u32 $0x3400, s10  }
0x5: {  	s2 =	simm.s32 $0x0;
	s1 =	rddreg [dreg:$0x1]  }
0x6: {  	[smem:$0x7FF] =	sst s2;
	s23 =	sadd.s32 $0x1C00, s11;
	s3 =	sshrl.u32 s24, $0x3  }
0x7: {  	_ =	strace $0x80000047;
	s4 =	sadd.s32 s23, s3;
	s3 =	simm.s32 $0x3  }
0x8: {  	[tilespmem:s2], [sflag:$0x3] =	stream.linear.gather [hbm4b:s4+s2], $0x680, $0x38;
	[tilespmem:$0x1AD00] =	vst v63  }
0x9: {  	s6 =	simm.s32 $0x680;
	_ =	swait.ge [sflag:s3], $0x680  }
0xa: {  	s7 =	simm.s32 $0xD00;
	s14 =	sadd.s32 $0x680, s24;
	[sflag:s3] =	ssyncset.done $0x0  }
0xb: {  	s5 =	sadd.s32 $0x27AE000, s11;
	s8 =	sshrl.u32 s14, $0x3;
	[sflag:s3] =	ssyncadd.s32 $0xFFFFF980  }
0xc: {  	[tilespmem:s7], [sflag:$0x1] =	stream.indirect.gather [hbm4b:s5+s6], $0x20, s2, s6, $0xb8;
	[tilespmem:$0x1AD00] =	vst v63  }
0xd: {  	s8 =	sadd.s32 s23, s8  }
0xe: {  	[tilespmem:s6], [sflag:$0x3] =	stream.linear.gather [hbm4b:s8+s2], $0x680, $0x38;
	[tilespmem:$0x1AD00] =	vst v63  }
0xf: {  	_ =	swait.ge [sflag:s3], $0x680  }
0x10: {  	[sflag:s3] =	ssyncset.done $0x0  }
0x11: {  	s9 =	simm.s32 $0x1;
	[sflag:s3] =	ssyncadd.s32 $0xFFFFF980  }
0x12: {  	_ =	swait.ge [sflag:s9], $0xD000  }
0x13: {  	s26 =	sadd.s32 $0xEC00, s11;
	[sflag:s9] =	ssyncset.done $0x0  }
0x14: {  	s29 =	smul.u32 $0xD000, s10;
	s10 =	simm.s32 $0xDD00;
	[sflag:s9] =	ssyncadd.s32 $0xFFFF3000  }
0x15: {  	[tilespmem:s10], [sflag:$0x2] =	stream.indirect.gather [hbm4b:s5+s6], $0x20, s6, s6, $0xb8;
	[tilespmem:$0x1AD00] =	vst v63  }
0x16: {  	s11 =	sadd.s32 s26, s29  }
0x17: {  	[hbm4b:s11+s2] =	stream.linear.scatter [tilespmem:s7], [sflag:$0x3], $0xD000, $0x38;
	[tilespmem:$0x1AD00] =	vst v63  }
0x18: {  	s16 =	sadd.s32 $0xD00, s24;
	_ =	swait.ge [sflag:s3], $0xD000  }
0x19: {  	s12 =	sshrl.u32 s16, $0x3;
	[sflag:s3] =	ssyncset.done $0x0  }
0x1a: {  	s12 =	sadd.s32 s23, s12;
	[sflag:s3] =	ssyncadd.s32 $0xFFFF3000  }
0x1b: {  	[tilespmem:s2], [sflag:$0x3] =	stream.linear.gather [hbm4b:s12+s2], $0x680, $0x38;
	[tilespmem:$0x1AD00] =	vst v63  }
0x1c: {  	_ =	swait.ge [sflag:s3], $0x680  }
0x1d: {  	[sflag:s3] =	ssyncset.done $0x0  }
0x1e: {  	s13 =	simm.s32 $0x2;
	[sflag:s3] =	ssyncadd.s32 $0xFFFFF980  }
0x1f: {  	_ =	swait.ge [sflag:s13], $0xD000  }
0x20: {  	[sflag:s13] =	ssyncset.done $0x0  }
0x21: {  	s14 =	sshll.u32 s14, $0x2;
	[sflag:s13] =	ssyncadd.s32 $0xFFFF3000  }
0x22: {  	[tilespmem:s7], [sflag:$0x1] =	stream.indirect.gather [hbm4b:s5+s6], $0x20, s2, s6, $0xb8;
	[tilespmem:$0x1AD00] =	vst v63  }
0x23: {  	s14 =	sadd.s32 s26, s14  }
0x24: {  	[hbm4b:s14+s2] =	stream.linear.scatter [tilespmem:s10], [sflag:$0x3], $0xD000, $0x38;
	[tilespmem:$0x1AD00] =	vst v63  }
0x25: {  	s18 =	sadd.s32 $0x1380, s24;
	_ =	swait.ge [sflag:s3], $0xD000  }
0x26: {  	s15 =	sshrl.u32 s18, $0x3;
	[sflag:s3] =	ssyncset.done $0x0  }
0x27: {  	s15 =	sadd.s32 s23, s15;
	[sflag:s3] =	ssyncadd.s32 $0xFFFF3000  }
0x28: {  	[tilespmem:s6], [sflag:$0x3] =	stream.linear.gather [hbm4b:s15+s2], $0x680, $0x38;
	[tilespmem:$0x1AD00] =	vst v63  }
0x29: {  	_ =	swait.ge [sflag:s3], $0x680  }
0x2a: {  	[sflag:s3] =	ssyncset.done $0x0  }
0x2b: {  	[sflag:s3] =	ssyncadd.s32 $0xFFFFF980  }
0x2c: {  	_ =	swait.ge [sflag:s9], $0xD000  }
0x2d: {  	[sflag:s9] =	ssyncset.done $0x0  }
0x2e: {  	s16 =	sshll.u32 s16, $0x2;
	[sflag:s9] =	ssyncadd.s32 $0xFFFF3000  }
0x2f: {  	[tilespmem:s10], [sflag:$0x2] =	stream.indirect.gather [hbm4b:s5+s6], $0x20, s6, s6, $0xb8;
	[tilespmem:$0x1AD00] =	vst v63  }
0x30: {  	s16 =	sadd.s32 s26, s16  }
0x31: {  	[hbm4b:s16+s2] =	stream.linear.scatter [tilespmem:s7], [sflag:$0x3], $0xD000, $0x38;
	[tilespmem:$0x1AD00] =	vst v63  }
0x32: {  	s20 =	sadd.s32 $0x1A00, s24;
	_ =	swait.ge [sflag:s3], $0xD000  }
0x33: {  	s17 =	sshrl.u32 s20, $0x3;
	[sflag:s3] =	ssyncset.done $0x0  }
0x34: {  	s17 =	sadd.s32 s23, s17;
	[sflag:s3] =	ssyncadd.s32 $0xFFFF3000  }
0x35: {  	[tilespmem:s2], [sflag:$0x3] =	stream.linear.gather [hbm4b:s17+s2], $0x680, $0x38;
	[tilespmem:$0x1AD00] =	vst v63  }
0x36: {  	_ =	swait.ge [sflag:s3], $0x680  }
0x37: {  	[sflag:s3] =	ssyncset.done $0x0  }
0x38: {  	[sflag:s3] =	ssyncadd.s32 $0xFFFFF980  }
0x39: {  	_ =	swait.ge [sflag:s13], $0xD000  }
0x3a: {  	[sflag:s13] =	ssyncset.done $0x0  }
0x3b: {  	s18 =	sshll.u32 s18, $0x2;
	[sflag:s13] =	ssyncadd.s32 $0xFFFF3000  }
0x3c: {  	[tilespmem:s7], [sflag:$0x1] =	stream.indirect.gather [hbm4b:s5+s6], $0x20, s2, s6, $0xb8;
	[tilespmem:$0x1AD00] =	vst v63  }
0x3d: {  	s18 =	sadd.s32 s26, s18  }
0x3e: {  	[hbm4b:s18+s2] =	stream.linear.scatter [tilespmem:s10], [sflag:$0x3], $0xD000, $0x38;
	[tilespmem:$0x1AD00] =	vst v63  }
0x3f: {  	s22 =	sadd.s32 $0x2080, s24;
	_ =	swait.ge [sflag:s3], $0xD000  }
0x40: {  	s19 =	sshrl.u32 s22, $0x3;
	[sflag:s3] =	ssyncset.done $0x0  }
0x41: {  	s19 =	sadd.s32 s23, s19;
	[sflag:s3] =	ssyncadd.s32 $0xFFFF3000  }
0x42: {  	[tilespmem:s6], [sflag:$0x3] =	stream.linear.gather [hbm4b:s19+s2], $0x680, $0x38;
	[tilespmem:$0x1AD00] =	vst v63  }
0x43: {  	_ =	swait.ge [sflag:s3], $0x680  }
0x44: {  	[sflag:s3] =	ssyncset.done $0x0  }
0x45: {  	[sflag:s3] =	ssyncadd.s32 $0xFFFFF980  }
0x46: {  	_ =	swait.ge [sflag:s9], $0xD000  }
0x47: {  	[sflag:s9] =	ssyncset.done $0x0  }
0x48: {  	s20 =	sshll.u32 s20, $0x2;
	[sflag:s9] =	ssyncadd.s32 $0xFFFF3000  }
0x49: {  	[tilespmem:s10], [sflag:$0x2] =	stream.indirect.gather [hbm4b:s5+s6], $0x20, s6, s6, $0xb8;
	[tilespmem:$0x1AD00] =	vst v63  }
0x4a: {  	s20 =	sadd.s32 s26, s20  }
0x4b: {  	[hbm4b:s20+s2] =	stream.linear.scatter [tilespmem:s7], [sflag:$0x3], $0xD000, $0x38;
	[tilespmem:$0x1AD00] =	vst v63  }
0x4c: {  	s28 =	sadd.s32 $0x2700, s24;
	_ =	swait.ge [sflag:s3], $0xD000  }
0x4d: {  	s21 =	sshrl.u32 s28, $0x3;
	[sflag:s3] =	ssyncset.done $0x0  }
0x4e: {  	s21 =	sadd.s32 s23, s21;
	[sflag:s3] =	ssyncadd.s32 $0xFFFF3000  }
0x4f: {  	[tilespmem:s2], [sflag:$0x3] =	stream.linear.gather [hbm4b:s21+s2], $0x680, $0x38;
	[tilespmem:$0x1AD00] =	vst v63  }
0x50: {  	_ =	swait.ge [sflag:s3], $0x680  }
0x51: {  	[sflag:s3] =	ssyncset.done $0x0  }
0x52: {  	[sflag:s3] =	ssyncadd.s32 $0xFFFFF980  }
0x53: {  	_ =	swait.ge [sflag:s13], $0xD000  }
0x54: {  	[sflag:s13] =	ssyncset.done $0x0  }
0x55: {  	s22 =	sshll.u32 s22, $0x2;
	[sflag:s13] =	ssyncadd.s32 $0xFFFF3000  }
0x56: {  	[tilespmem:s7], [sflag:$0x1] =	stream.indirect.gather [hbm4b:s5+s6], $0x20, s2, s6, $0xb8;
	[tilespmem:$0x1AD00] =	vst v63  }
0x57: {  	s22 =	sadd.s32 s26, s22  }
0x58: {  	[hbm4b:s22+s2] =	stream.linear.scatter [tilespmem:s10], [sflag:$0x3], $0xD000, $0x38;
	[tilespmem:$0x1AD00] =	vst v63  }
0x59: {  	s29 =	sadd.s32 $0x2D80, s24;
	_ =	swait.ge [sflag:s3], $0xD000  }
0x5a: {  	s24 =	sshrl.u32 s29, $0x3;
	[sflag:s3] =	ssyncset.done $0x0  }
0x5b: {  	s23 =	sadd.s32 s23, s24;
	[sflag:s3] =	ssyncadd.s32 $0xFFFF3000  }
0x5c: {  	[tilespmem:s6], [sflag:$0x3] =	stream.linear.gather [hbm4b:s23+s2], $0x680, $0x38;
	[tilespmem:$0x1AD00] =	vst v63  }
0x5d: {  	_ =	swait.ge [sflag:s3], $0x680  }
0x5e: {  	[sflag:s3] =	ssyncset.done $0x0  }
0x5f: {  	[sflag:s3] =	ssyncadd.s32 $0xFFFFF980  }
0x60: {  	_ =	swait.ge [sflag:s9], $0xD000  }
0x61: {  	[sflag:s9] =	ssyncset.done $0x0  }
0x62: {  	s30 =	sshll.u32 s28, $0x2;
	[sflag:s9] =	ssyncadd.s32 $0xFFFF3000  }
0x63: {  	[tilespmem:s10], [sflag:$0x2] =	stream.indirect.gather [hbm4b:s5+s6], $0x20, s6, s6, $0xb8;
	[tilespmem:$0x1AD00] =	vst v63  }
0x64: {  	s25 =	ssub.s32 $0x2, s25;
	s24 =	sadd.s32 s26, s30  }
0x65: {  	[hbm4b:s24+s2] =	stream.linear.scatter [tilespmem:s7], [sflag:$0x3], $0xD000, $0x38;
	[tilespmem:$0x1AD00] =	vst v63  }
0x66: {  	s31 =	sshrl.u32 s25, $0x1;
	_ =	swait.ge [sflag:s3], $0xD000  }
0x67: {  	s28 =	ssub.s32 s25, s31;
	[sflag:s3] =	ssyncset.done $0x0  }
0x68: {  	s31 =	smax.u32 s28, $0x1;
	[sflag:s3] =	ssyncadd.s32 $0xFFFF3000  }
0x69: {  	p0 =	sne.s32 s31, $0x1;
	_ =	swait.ge [sflag:s13], $0xD000  }
.Ltmp0:
0x6a: {  	s30 =	sshll.u32 s29, $0x2;
	[sflag:s13] =	ssyncset.done $0x0;
	(pc) =	sbr.rel @!p0 .LBB2_2-.Ltmp0, $4  }
0x6b: {  	s25 =	sadd.s32 s26, s30;
	[sflag:s13] =	ssyncadd.s32 $0xFFFF3000  }
0x6c: {  	[hbm4b:s25+s2] =	stream.linear.scatter [tilespmem:s10], [sflag:$0x3], $0xD000, $0x38;
	[tilespmem:$0x1AD00] =	vst v63  }
0x6d: {  	_ =	swait.ge [sflag:s3], $0xD000  }
0x6e: {  	s26 =	sadd.s32 $0xFFFFFFFF, s31;
	[sflag:s3] =	ssyncset.done $0x0  }
.LBB2_1:
0x6f: {  	p0 =	sne.s32 s26, $0x1;
	s26 =	sadd.s32 $0xFFFFFFFF, s26;
	[sflag:s3] =	ssyncadd.s32 $0xFFFF3000  }
0x70: {  	[tilespmem:s2], [sflag:$0x3] =	stream.linear.gather [hbm4b:s4+s2], $0x680, $0x38;
	[tilespmem:$0x1AD00] =	vst v63  }
0x71: {  	_ =	swait.ge [sflag:s3], $0x680  }
0x72: {  	[sflag:s3] =	ssyncset.done $0x0  }
0x73: {  	[sflag:s3] =	ssyncadd.s32 $0xFFFFF980  }
0x74: {  	[tilespmem:s7], [sflag:$0x1] =	stream.indirect.gather [hbm4b:s5+s6], $0x20, s2, s6, $0xb8;
	[tilespmem:$0x1AD00] =	vst v63  }
0x75: {  	_ = 	snop  }
0x76: {  	[tilespmem:s6], [sflag:$0x3] =	stream.linear.gather [hbm4b:s8+s2], $0x680, $0x38;
	[tilespmem:$0x1AD00] =	vst v63  }
0x77: {  	_ =	swait.ge [sflag:s3], $0x680  }
0x78: {  	[sflag:s3] =	ssyncset.done $0x0  }
0x79: {  	[sflag:s3] =	ssyncadd.s32 $0xFFFFF980  }
0x7a: {  	_ =	swait.ge [sflag:s9], $0xD000  }
0x7b: {  	[sflag:s9] =	ssyncset.done $0x0  }
0x7c: {  	[sflag:s9] =	ssyncadd.s32 $0xFFFF3000  }
0x7d: {  	[tilespmem:s10], [sflag:$0x2] =	stream.indirect.gather [hbm4b:s5+s6], $0x20, s6, s6, $0xb8;
	[tilespmem:$0x1AD00] =	vst v63  }
0x7e: {  	_ = 	snop  }
0x7f: {  	[hbm4b:s11+s2] =	stream.linear.scatter [tilespmem:s7], [sflag:$0x3], $0xD000, $0x38;
	[tilespmem:$0x1AD00] =	vst v63  }
0x80: {  	_ =	swait.ge [sflag:s3], $0xD000  }
0x81: {  	[sflag:s3] =	ssyncset.done $0x0  }
0x82: {  	[sflag:s3] =	ssyncadd.s32 $0xFFFF3000  }
0x83: {  	[tilespmem:s2], [sflag:$0x3] =	stream.linear.gather [hbm4b:s12+s2], $0x680, $0x38;
	[tilespmem:$0x1AD00] =	vst v63  }
0x84: {  	_ =	swait.ge [sflag:s3], $0x680  }
0x85: {  	[sflag:s3] =	ssyncset.done $0x0  }
0x86: {  	[sflag:s3] =	ssyncadd.s32 $0xFFFFF980  }
0x87: {  	_ =	swait.ge [sflag:s13], $0xD000  }
0x88: {  	[sflag:s13] =	ssyncset.done $0x0  }
0x89: {  	[sflag:s13] =	ssyncadd.s32 $0xFFFF3000  }
0x8a: {  	[tilespmem:s7], [sflag:$0x1] =	stream.indirect.gather [hbm4b:s5+s6], $0x20, s2, s6, $0xb8;
	[tilespmem:$0x1AD00] =	vst v63  }
0x8b: {  	_ = 	snop  }
0x8c: {  	[hbm4b:s14+s2] =	stream.linear.scatter [tilespmem:s10], [sflag:$0x3], $0xD000, $0x38;
	[tilespmem:$0x1AD00] =	vst v63  }
0x8d: {  	_ =	swait.ge [sflag:s3], $0xD000  }
0x8e: {  	[sflag:s3] =	ssyncset.done $0x0  }
0x8f: {  	[sflag:s3] =	ssyncadd.s32 $0xFFFF3000  }
0x90: {  	[tilespmem:s6], [sflag:$0x3] =	stream.linear.gather [hbm4b:s15+s2], $0x680, $0x38;
	[tilespmem:$0x1AD00] =	vst v63  }
0x91: {  	_ =	swait.ge [sflag:s3], $0x680  }
0x92: {  	[sflag:s3] =	ssyncset.done $0x0  }
0x93: {  	[sflag:s3] =	ssyncadd.s32 $0xFFFFF980  }
0x94: {  	_ =	swait.ge [sflag:s9], $0xD000  }
0x95: {  	[sflag:s9] =	ssyncset.done $0x0  }
0x96: {  	[sflag:s9] =	ssyncadd.s32 $0xFFFF3000  }
0x97: {  	[tilespmem:s10], [sflag:$0x2] =	stream.indirect.gather [hbm4b:s5+s6], $0x20, s6, s6, $0xb8;
	[tilespmem:$0x1AD00] =	vst v63  }
0x98: {  	_ = 	snop  }
0x99: {  	[hbm4b:s16+s2] =	stream.linear.scatter [tilespmem:s7], [sflag:$0x3], $0xD000, $0x38;
	[tilespmem:$0x1AD00] =	vst v63  }
0x9a: {  	_ =	swait.ge [sflag:s3], $0xD000  }
0x9b: {  	[sflag:s3] =	ssyncset.done $0x0  }
0x9c: {  	[sflag:s3] =	ssyncadd.s32 $0xFFFF3000  }
0x9d: {  	[tilespmem:s2], [sflag:$0x3] =	stream.linear.gather [hbm4b:s17+s2], $0x680, $0x38;
	[tilespmem:$0x1AD00] =	vst v63  }
0x9e: {  	_ =	swait.ge [sflag:s3], $0x680  }
0x9f: {  	[sflag:s3] =	ssyncset.done $0x0  }
0xa0: {  	[sflag:s3] =	ssyncadd.s32 $0xFFFFF980  }
0xa1: {  	_ =	swait.ge [sflag:s13], $0xD000  }
0xa2: {  	[sflag:s13] =	ssyncset.done $0x0  }
0xa3: {  	[sflag:s13] =	ssyncadd.s32 $0xFFFF3000  }
0xa4: {  	[tilespmem:s7], [sflag:$0x1] =	stream.indirect.gather [hbm4b:s5+s6], $0x20, s2, s6, $0xb8;
	[tilespmem:$0x1AD00] =	vst v63  }
0xa5: {  	_ = 	snop  }
0xa6: {  	[hbm4b:s18+s2] =	stream.linear.scatter [tilespmem:s10], [sflag:$0x3], $0xD000, $0x38;
	[tilespmem:$0x1AD00] =	vst v63  }
0xa7: {  	_ =	swait.ge [sflag:s3], $0xD000  }
0xa8: {  	[sflag:s3] =	ssyncset.done $0x0  }
0xa9: {  	[sflag:s3] =	ssyncadd.s32 $0xFFFF3000  }
0xaa: {  	[tilespmem:s6], [sflag:$0x3] =	stream.linear.gather [hbm4b:s19+s2], $0x680, $0x38;
	[tilespmem:$0x1AD00] =	vst v63  }
0xab: {  	_ =	swait.ge [sflag:s3], $0x680  }
0xac: {  	[sflag:s3] =	ssyncset.done $0x0  }
0xad: {  	[sflag:s3] =	ssyncadd.s32 $0xFFFFF980  }
0xae: {  	_ =	swait.ge [sflag:s9], $0xD000  }
0xaf: {  	[sflag:s9] =	ssyncset.done $0x0  }
0xb0: {  	[sflag:s9] =	ssyncadd.s32 $0xFFFF3000  }
0xb1: {  	[tilespmem:s10], [sflag:$0x2] =	stream.indirect.gather [hbm4b:s5+s6], $0x20, s6, s6, $0xb8;
	[tilespmem:$0x1AD00] =	vst v63  }
0xb2: {  	_ = 	snop  }
0xb3: {  	[hbm4b:s20+s2] =	stream.linear.scatter [tilespmem:s7], [sflag:$0x3], $0xD000, $0x38;
	[tilespmem:$0x1AD00] =	vst v63  }
0xb4: {  	_ =	swait.ge [sflag:s3], $0xD000  }
0xb5: {  	[sflag:s3] =	ssyncset.done $0x0  }
0xb6: {  	[sflag:s3] =	ssyncadd.s32 $0xFFFF3000  }
0xb7: {  	[tilespmem:s2], [sflag:$0x3] =	stream.linear.gather [hbm4b:s21+s2], $0x680, $0x38;
	[tilespmem:$0x1AD00] =	vst v63  }
0xb8: {  	_ =	swait.ge [sflag:s3], $0x680  }
0xb9: {  	[sflag:s3] =	ssyncset.done $0x0  }
0xba: {  	[sflag:s3] =	ssyncadd.s32 $0xFFFFF980  }
0xbb: {  	_ =	swait.ge [sflag:s13], $0xD000  }
0xbc: {  	[sflag:s13] =	ssyncset.done $0x0  }
0xbd: {  	[sflag:s13] =	ssyncadd.s32 $0xFFFF3000  }
0xbe: {  	[tilespmem:s7], [sflag:$0x1] =	stream.indirect.gather [hbm4b:s5+s6], $0x20, s2, s6, $0xb8;
	[tilespmem:$0x1AD00] =	vst v63  }
0xbf: {  	_ = 	snop  }
0xc0: {  	[hbm4b:s22+s2] =	stream.linear.scatter [tilespmem:s10], [sflag:$0x3], $0xD000, $0x38;
	[tilespmem:$0x1AD00] =	vst v63  }
0xc1: {  	_ =	swait.ge [sflag:s3], $0xD000  }
0xc2: {  	[sflag:s3] =	ssyncset.done $0x0  }
0xc3: {  	[sflag:s3] =	ssyncadd.s32 $0xFFFF3000  }
0xc4: {  	[tilespmem:s6], [sflag:$0x3] =	stream.linear.gather [hbm4b:s23+s2], $0x680, $0x38;
	[tilespmem:$0x1AD00] =	vst v63  }
0xc5: {  	_ =	swait.ge [sflag:s3], $0x680  }
0xc6: {  	[sflag:s3] =	ssyncset.done $0x0  }
0xc7: {  	[sflag:s3] =	ssyncadd.s32 $0xFFFFF980  }
0xc8: {  	_ =	swait.ge [sflag:s9], $0xD000  }
0xc9: {  	[sflag:s9] =	ssyncset.done $0x0  }
0xca: {  	[sflag:s9] =	ssyncadd.s32 $0xFFFF3000  }
0xcb: {  	[tilespmem:s10], [sflag:$0x2] =	stream.indirect.gather [hbm4b:s5+s6], $0x20, s6, s6, $0xb8;
	[tilespmem:$0x1AD00] =	vst v63  }
0xcc: {  	_ = 	snop  }
0xcd: {  	[hbm4b:s24+s2] =	stream.linear.scatter [tilespmem:s7], [sflag:$0x3], $0xD000, $0x38;
	[tilespmem:$0x1AD00] =	vst v63  }
0xce: {  	_ =	swait.ge [sflag:s3], $0xD000  }
0xcf: {  	[sflag:s3] =	ssyncset.done $0x0  }
0xd0: {  	[sflag:s3] =	ssyncadd.s32 $0xFFFF3000  }
0xd1: {  	_ =	swait.ge [sflag:s13], $0xD000  }
.Ltmp1:
0xd2: {  	[sflag:s13] =	ssyncset.done $0x0;
	(pc) =	sbr.rel @p0 .LBB2_1-.Ltmp1, $4  }
0xd3: {  	[sflag:s13] =	ssyncadd.s32 $0xFFFF3000  }
0xd4: {  	[hbm4b:s25+s2] =	stream.linear.scatter [tilespmem:s10], [sflag:$0x3], $0xD000, $0x38;
	[tilespmem:$0x1AD00] =	vst v63  }
0xd5: {  	_ =	swait.ge [sflag:s3], $0xD000  }
0xd6: {  	[sflag:s3] =	ssyncset.done $0x0  }
.LBB2_2:
0xd7: {  	[sflag:s3] =	ssyncadd.s32 $0xFFFF3000  }
0xd8: {  	_ =	sfence.sel $0x180000  }
0xd9: {  	[bflag:$0x0] =	sbarrier.arrive $0xFFFF  }
0xda: {  	p0 =	sne.s32 s0, $0x0;
	_ =	strace $0x90000047  }
0xdb: {  	s0 =	sadd.s32 @!p0 $0x100000, s1;
	[bflag:$0x2] =	sbarrier.arrive $0xFFFF  }
0xdc: {  	[sflag:s0] =	ssyncadd.tile.s32 @!p0 $0x1;
	_ =	shalt  }
.Lfunc_end2:
_tile_overlayer_lowered:
.L_overlay_start_2:
0xdd: {  	(tag) =	ssettag $0x2  }
0xde: {  	s0 =	rddreg [dreg:$0x0];
	s2 =	stileid.u32  }
0xdf: {  	s1 =	rddreg [dreg:$0x1];
	p0 =	sne.s32 s2, $0x0  }
0xe0: {  	s3 =	rddreg [dreg:$0x2];
	[bflag:$0x3] =	sbarrier.arrive $0xFFFF;
	s2 =	simm.s32 @!p0 $0x1C03  }
0xe1: {  	[timem:s3], [sflag:s2] =	dma.local @!p0 [hbm:s0], s1  }
0xe2: {  	s0 =	simm.s32 @!p0 $0x3  }
0xe3: {  	_ =	swait.ge @!p0 [sflag:s0], s1  }
0xe4: {  	s1 =	ssub.s32 @!p0 $0x0, s1;
	[sflag:s0] =	ssyncset.done @!p0 $0x0  }
0xe5: {  	[sflag:s0] =	ssyncadd.s32 @!p0 s1  }
0xe6: {  	[bflag:$0x3] =	sbarrier.arrive $0xFFFF  }
0xe7: {  	_ =	shalt  }

</sc_bundles>
